<compile_context>
chip_gen: v7x
topology: tpu7x:2x2x1
jax: 0.10.2.dev20260603
libtpu: 0.0.44.dev20260713+nightly
codegen_flags: <defaults>
</compile_context>

<pallas_src>
import functools

import jax
import jax.numpy as jnp
from jax import lax
from jax.experimental import pallas as pl
from jax.experimental.pallas import tpu as pltpu
from jax.experimental.pallas import tpu_sc as plsc

N = 10000
E = 320000
F = 128
D1 = 160
NC, NS = 2, 16
CH = 32
CPT = 320
NBUF = 4
EPAD = NC * NS * CPT * CH
ACC_ROWS = 10016
ZR = 626
RB = 2000

_P = jax.lax.Precision.HIGHEST



def _tc1_body(x_ref, wl_ref, e_ref, wr_ref, p_ref, r_ref):
    x = x_ref[...]
    p = lax.dot(x.astype(jnp.bfloat16), wl_ref[...].astype(jnp.bfloat16),
                preferred_element_type=jnp.float32) + e_ref[...]
    p_ref[...] = p.astype(jnp.bfloat16)
    r_ref[...] = lax.dot(x, wr_ref[...], precision=_P)


def _tc1(x, w1aug, e144, w1r):
    return pl.pallas_call(
        _tc1_body,
        grid=(N // RB,),
        in_specs=[
            pl.BlockSpec((RB, F), lambda i: (i, 0)),
            pl.BlockSpec((F, D1), lambda i: (0, 0)),
            pl.BlockSpec((1, D1), lambda i: (0, 0)),
            pl.BlockSpec((F, F), lambda i: (0, 0)),
        ],
        out_specs=[
            pl.BlockSpec((RB, D1), lambda i: (i, 0)),
            pl.BlockSpec((RB, F), lambda i: (i, 0)),
        ],
        out_shape=[
            jax.ShapeDtypeStruct((N, D1), jnp.bfloat16),
            jax.ShapeDtypeStruct((N, F), jnp.float32),
        ],
    )(x, w1aug, e144, w1r)


def _tc2_body(s_ref, r_ref, wl_ref, wr_ref, b1_ref, p_ref, r2_ref, deg_ref):
    s = s_ref[0].astype(jnp.float32) + s_ref[1].astype(jnp.float32)
    deg = s[:, F:F + 1]
    mean = s[:, :F] / jnp.maximum(deg, 1.0)
    h = jnp.maximum(mean + r_ref[...] + b1_ref[...], 0.0)
    p_ref[...] = lax.dot(h.astype(jnp.bfloat16),
                         wl_ref[...].astype(jnp.bfloat16),
                         preferred_element_type=jnp.float32
                         ).astype(jnp.bfloat16)
    r2_ref[...] = lax.dot(h, wr_ref[...], precision=_P)
    deg_ref[...] = jnp.broadcast_to(deg, (RB, F))


def _tc2(s1, r1, w2l, w2r, b1):
    return pl.pallas_call(
        _tc2_body,
        grid=(N // RB,),
        in_specs=[
            pl.BlockSpec((2, RB, D1), lambda i: (0, i, 0)),
            pl.BlockSpec((RB, F), lambda i: (i, 0)),
            pl.BlockSpec((F, F), lambda i: (0, 0)),
            pl.BlockSpec((F, F), lambda i: (0, 0)),
            pl.BlockSpec((1, F), lambda i: (0, 0)),
        ],
        out_specs=[
            pl.BlockSpec((RB, F), lambda i: (i, 0)),
            pl.BlockSpec((RB, F), lambda i: (i, 0)),
            pl.BlockSpec((RB, F), lambda i: (i, 0)),
        ],
        out_shape=[
            jax.ShapeDtypeStruct((N, F), jnp.bfloat16),
            jax.ShapeDtypeStruct((N, F), jnp.float32),
            jax.ShapeDtypeStruct((N, F), jnp.float32),
        ],
    )(s1, r1, w2l, w2r, b1)


def _tc3_body(s_ref, r_ref, deg_ref, b2_ref, o_ref):
    s = s_ref[0].astype(jnp.float32) + s_ref[1].astype(jnp.float32)
    o = s / jnp.maximum(deg_ref[...], 1.0) + r_ref[...] + b2_ref[...]
    m = jnp.max(o, axis=1, keepdims=True)
    z = o - m
    o_ref[...] = z - jnp.log(jnp.sum(jnp.exp(z), axis=1, keepdims=True))


def _tc3(s2, r2, degb, b2):
    return pl.pallas_call(
        _tc3_body,
        grid=(N // RB,),
        in_specs=[
            pl.BlockSpec((2, RB, F), lambda i: (0, i, 0)),
            pl.BlockSpec((RB, F), lambda i: (i, 0)),
            pl.BlockSpec((RB, F), lambda i: (i, 0)),
            pl.BlockSpec((1, F), lambda i: (0, 0)),
        ],
        out_specs=pl.BlockSpec((RB, F), lambda i: (i, 0)),
        out_shape=jax.ShapeDtypeStruct((N, F), jnp.float32),
    )(s2, r2, degb, b2)



@functools.cache
def _make_segsum(d):
    mesh = plsc.VectorSubcoreMesh(core_axis_name="c", subcore_axis_name="s",
                                  num_cores=NC, num_subcores=NS)

    @functools.partial(
        pl.kernel,
        out_type=jax.ShapeDtypeStruct((NC, ACC_ROWS, d), jnp.bfloat16),
        mesh=mesh,
        scratch_types=[
            pltpu.VMEM((CPT, CH), jnp.int32),
            pltpu.VMEM((CPT, CH), jnp.int32),
            [pltpu.VMEM((CH, d), jnp.bfloat16) for _ in range(NBUF)],
            [pltpu.SemaphoreType.DMA for _ in range(NBUF)],
            [pltpu.SemaphoreType.DMA for _ in range(NBUF)],
            pltpu.VMEM_SHARED((ACC_ROWS, d), jnp.bfloat16),
            pltpu.VMEM_SHARED((N, d), jnp.bfloat16),
        ],
        compiler_params=pltpu.CompilerParams(use_tc_tiling_on_sc=False),
    )
    def seg(p_hbm, src_hbm, dst_hbm, z_hbm, out_hbm, src_v, dst_v, rows,
            sems, ssems, acc_sh, tab_sh):
        c = lax.axis_index("c")
        s = lax.axis_index("s")
        w = s * NC + c
        pltpu.sync_copy(z_hbm, acc_sh.at[pl.ds(s * ZR, ZR)])
        pltpu.sync_copy(p_hbm.at[pl.ds(s * (N // NS), N // NS)],
                        tab_sh.at[pl.ds(s * (N // NS), N // NS)])
        pltpu.sync_copy(src_hbm.at[pl.ds(w * CPT, CPT)], src_v)
        pltpu.sync_copy(dst_hbm.at[pl.ds(w * CPT, CPT)], dst_v)
        plsc.subcore_barrier()

        for b in range(NBUF - 1):
            pltpu.async_copy(tab_sh.at[src_v.at[b]], rows[b], sems[b])

        def body(i, carry):
            j0 = i * NBUF
            for b in range(NBUF):
                j = j0 + b
                bn = (b + NBUF - 1) % NBUF

                @pl.when(j + NBUF - 1 < CPT)
                def _():
                    @pl.when(j > 0)
                    def _():
                        pltpu.make_async_copy(
                            rows[bn], acc_sh.at[dst_v.at[j - 1]],
                            ssems[bn]).wait()
                    pltpu.async_copy(tab_sh.at[src_v.at[j + NBUF - 1]],
                                     rows[bn], sems[bn])

                pltpu.make_async_copy(tab_sh.at[src_v.at[j]], rows[b],
                                      sems[b]).wait()
                pltpu.async_copy(rows[b], acc_sh.at[dst_v.at[j]], ssems[b],
                                 add=True)
            return carry

        lax.fori_loop(0, CPT // NBUF, body, 0)
        for b in range(NBUF):
            j = CPT - NBUF + b
            pltpu.make_async_copy(rows[b % NBUF], acc_sh.at[dst_v.at[j]],
                                  ssems[j % NBUF]).wait()
        plsc.subcore_barrier()
        pltpu.sync_copy(acc_sh.at[pl.ds(s * ZR, ZR)],
                        out_hbm.at[c, pl.ds(s * ZR, ZR)])

    return seg



def kernel(x, edge_index, W1l, b1l, W1r, W2l, b2l, W2r):
    src = edge_index[0].astype(jnp.int32)
    dst = edge_index[1].astype(jnp.int32)
    pad = EPAD - E
    src = jnp.concatenate([src, jnp.zeros((pad,), jnp.int32)]).reshape(-1, CH)
    dst = jnp.concatenate([dst, jnp.full((pad,), N, jnp.int32)]).reshape(-1, CH)

    w1aug = jnp.concatenate([W1l, jnp.zeros((F, D1 - F), jnp.float32)], axis=1)
    e144 = jnp.concatenate(
        [jnp.zeros((1, F), jnp.float32), jnp.ones((1, 1), jnp.float32),
         jnp.zeros((1, D1 - F - 1), jnp.float32)], axis=1)
    z144 = jnp.zeros((ZR, D1), jnp.bfloat16)
    z128 = jnp.zeros((ZR, F), jnp.bfloat16)

    p1, r1 = _tc1(x, w1aug, e144, W1r)
    s1 = _make_segsum(D1)(p1, src, dst, z144)
    p2, r2, degb = _tc2(s1, r1, W2l, W2r, b1l.reshape(1, F))
    s2 = _make_segsum(F)(p2, src, dst, z128)
    return _tc3(s2, r2, degb, b2l.reshape(1, F))

# --- scband reference (transcript-rebuilt; emitter-appended) ---
"""Pipeline reference for scband-graph-sage-120259084718 (READ-ONLY COPY).

The authoritative reference and input builder live on the scoring server;
editing this copy changes nothing except your own understanding.
"""

import jax, jax.numpy as jnp
import numpy as np

IN_CH = 128
HID_CH = 128
OUT_CH = 128
N_NODES = 10000
N_EDGES = 320000


def setup_inputs(seed: int = 0) -> dict:
    key = jax.random.key(seed)
    ks = jax.random.split(key, 8)
    x = jax.random.normal(ks[0], (N_NODES, IN_CH), dtype=jnp.float32)
    edge_index = jax.random.randint(ks[1], (2, N_EDGES), 0, N_NODES, dtype=jnp.int64)
    s1 = 1.0 / np.sqrt(IN_CH)
    s2 = 1.0 / np.sqrt(HID_CH)
    W1l = jax.random.uniform(ks[2], (IN_CH, HID_CH), jnp.float32, -s1, s1)
    b1l = jnp.zeros((HID_CH,), jnp.float32)
    W1r = jax.random.uniform(ks[3], (IN_CH, HID_CH), jnp.float32, -s1, s1)
    W2l = jax.random.uniform(ks[4], (HID_CH, OUT_CH), jnp.float32, -s2, s2)
    b2l = jnp.zeros((OUT_CH,), jnp.float32)
    W2r = jax.random.uniform(ks[5], (HID_CH, OUT_CH), jnp.float32, -s2, s2)
    return {"x": x, "edge_index": edge_index, "W1l": W1l, "b1l": b1l, "W1r": W1r, "W2l": W2l, "b2l": b2l, "W2r": W2r}


def _sage_conv(x, edge_index, Wl, bl, Wr):
    # PyG SAGEConv with mean aggregation: out = lin_l(mean_j x_j) + lin_r(x)
    src = edge_index[0]
    dst = edge_index[1]
    n = x.shape[0]
    msgs = jnp.take(x, src, axis=0)                       # gather source features
    agg = jax.ops.segment_sum(msgs, dst, num_segments=n)  # scatter-add by dst
    deg = jax.ops.segment_sum(jnp.ones((edge_index.shape[1],), x.dtype), dst, num_segments=n)
    mean = agg / jnp.clip(deg, 1.0, None)[:, None]
    return mean @ Wl + bl + x @ Wr


def reference(x, edge_index, W1l, b1l, W1r, W2l, b2l, W2r):
    h = _sage_conv(x, edge_index, W1l, b1l, W1r)
    h = jax.nn.relu(h)
    # dropout is identity in eval mode (training=False)
    h = _sage_conv(h, edge_index, W2l, b2l, W2r)
    return jax.nn.log_softmax(h, axis=1)

if __name__ == "__main__":
    import jax
    _d = setup_inputs()
    print(jax.jit(kernel)(*tuple(_d.values())))

</pallas_src>

<mosaic_0001>
#map = affine_map<(d0, d1) -> (0, 0)>
#map1 = affine_map<(d0, d1) -> (0, 0, 0)>
module attributes {stable_mosaic.version = 14 : i64} {
  func.func @seg(%arg0: i32, %arg1: i32, %arg2: memref<10000x160xbf16, #tpu.memory_space<hbm>>, %arg3: memref<10240x32xi32, #tpu.memory_space<hbm>>, %arg4: memref<10240x32xi32, #tpu.memory_space<hbm>>, %arg5: memref<626x160xbf16, #tpu.memory_space<hbm>>, %arg6: memref<2x10016x160xbf16, #tpu.memory_space<hbm>>, %arg7: memref<320x32xi32, #tpu.memory_space<vmem>>, %arg8: memref<320x32xi32, #tpu.memory_space<vmem>>, %arg9: memref<32x160xbf16, #tpu.memory_space<vmem>>, %arg10: memref<32x160xbf16, #tpu.memory_space<vmem>>, %arg11: memref<32x160xbf16, #tpu.memory_space<vmem>>, %arg12: memref<32x160xbf16, #tpu.memory_space<vmem>>, %arg13: memref<!tpu.dma_semaphore, #tpu.memory_space<semaphore_mem>>, %arg14: memref<!tpu.dma_semaphore, #tpu.memory_space<semaphore_mem>>, %arg15: memref<!tpu.dma_semaphore, #tpu.memory_space<semaphore_mem>>, %arg16: memref<!tpu.dma_semaphore, #tpu.memory_space<semaphore_mem>>, %arg17: memref<!tpu.dma_semaphore, #tpu.memory_space<semaphore_mem>>, %arg18: memref<!tpu.dma_semaphore, #tpu.memory_space<semaphore_mem>>, %arg19: memref<!tpu.dma_semaphore, #tpu.memory_space<semaphore_mem>>, %arg20: memref<!tpu.dma_semaphore, #tpu.memory_space<semaphore_mem>>, %arg21: memref<10016x160xbf16, #tpu.memory_space<vmem_shared>>, %arg22: memref<10000x160xbf16, #tpu.memory_space<vmem_shared>>) attributes {dimension_semantics = [#tpu.dimension_semantics<core_parallel>, #tpu.dimension_semantics<subcore_parallel>], iteration_bounds = array<i64: 2, 16>, scalar_prefetch = 0 : i64, scratch_operands = 16 : i64, tpu.core_type = #tpu.core_type<sc_vector_subcore>, window_params = [{transform_indices = #map}, {transform_indices = #map}, {transform_indices = #map}, {transform_indices = #map}, {transform_indices = #map1}]} {
    %mul3A = arith.constant 2 : i32
    %mul3A_0 = arith.muli %arg1, %mul3A : i32
    %add3A = arith.addi %mul3A_0, %arg0 : i32
    %mul3A_1 = arith.constant 626 : i32
    %mul3A_2 = arith.muli %arg1, %mul3A_1 : i32
    "tpu.region"() ({
      %run_scoped3A = tpu.sem_alloc : memref<!tpu.dma_semaphore, #tpu.memory_space<semaphore_mem>>
      %dma_start3A_68 = arith.constant 0 : i32
      %dma_start3A_69 = tpu.memref_slice %arg21[%mul3A_2, %dma_start3A_68] : memref<10016x160xbf16, #tpu.memory_space<vmem_shared>> -> memref<626x160xbf16, #tpu.memory_space<vmem_shared>>
      tpu.enqueue_dma source(%arg5 : memref<626x160xbf16, #tpu.memory_space<hbm>>) target(%dma_start3A_69 : memref<626x160xbf16, #tpu.memory_space<vmem_shared>>) target_semaphore(%run_scoped3A : memref<!tpu.dma_semaphore, #tpu.memory_space<semaphore_mem>>)
      %dma_wait3A_70 = arith.constant 0 : i32
      %dma_wait3A_71 = tpu.memref_slice %arg21[%mul3A_2, %dma_wait3A_70] : memref<10016x160xbf16, #tpu.memory_space<vmem_shared>> -> memref<626x160xbf16, #tpu.memory_space<vmem_shared>>
      tpu.wait_dma2 semaphore(%run_scoped3A : memref<!tpu.dma_semaphore, #tpu.memory_space<semaphore_mem>>) src(%arg5 : memref<626x160xbf16, #tpu.memory_space<hbm>>) dst(%dma_wait3A_71 : memref<626x160xbf16, #tpu.memory_space<vmem_shared>>)
      tpu.yield
    }) : () -> ()
    %mul3A_3 = arith.constant 625 : i32
    %mul3A_4 = arith.muli %arg1, %mul3A_3 : i32
    %mul3A_5 = arith.constant 625 : i32
    %mul3A_6 = arith.muli %arg1, %mul3A_5 : i32
    "tpu.region"() ({
      %run_scoped3A = tpu.sem_alloc : memref<!tpu.dma_semaphore, #tpu.memory_space<semaphore_mem>>
      %dma_start3A_68 = arith.constant 0 : i32
      %dma_start3A_69 = tpu.memref_slice %arg22[%mul3A_6, %dma_start3A_68] : memref<10000x160xbf16, #tpu.memory_space<vmem_shared>> -> memref<625x160xbf16, #tpu.memory_space<vmem_shared>>
      %dma_start3A_70 = arith.constant 0 : i32
      %dma_start3A_71 = tpu.memref_slice %arg2[%mul3A_4, %dma_start3A_70] : memref<10000x160xbf16, #tpu.memory_space<hbm>> -> memref<625x160xbf16, #tpu.memory_space<hbm>>
      tpu.enqueue_dma source(%dma_start3A_71 : memref<625x160xbf16, #tpu.memory_space<hbm>>) target(%dma_start3A_69 : memref<625x160xbf16, #tpu.memory_space<vmem_shared>>) target_semaphore(%run_scoped3A : memref<!tpu.dma_semaphore, #tpu.memory_space<semaphore_mem>>)
      %dma_wait3A_72 = arith.constant 0 : i32
      %dma_wait3A_73 = tpu.memref_slice %arg22[%mul3A_6, %dma_wait3A_72] : memref<10000x160xbf16, #tpu.memory_space<vmem_shared>> -> memref<625x160xbf16, #tpu.memory_space<vmem_shared>>
      %dma_wait3A_74 = arith.constant 0 : i32
      %dma_wait3A_75 = tpu.memref_slice %arg2[%mul3A_4, %dma_wait3A_74] : memref<10000x160xbf16, #tpu.memory_space<hbm>> -> memref<625x160xbf16, #tpu.memory_space<hbm>>
      tpu.wait_dma2 semaphore(%run_scoped3A : memref<!tpu.dma_semaphore, #tpu.memory_space<semaphore_mem>>) src(%dma_wait3A_75 : memref<625x160xbf16, #tpu.memory_space<hbm>>) dst(%dma_wait3A_73 : memref<625x160xbf16, #tpu.memory_space<vmem_shared>>)
      tpu.yield
    }) : () -> ()
    %mul3A_7 = arith.constant 320 : i32
    %mul3A_8 = arith.muli %add3A, %mul3A_7 : i32
    "tpu.region"() ({
      %run_scoped3A = tpu.sem_alloc : memref<!tpu.dma_semaphore, #tpu.memory_space<semaphore_mem>>
      %dma_start3A_68 = arith.constant 0 : i32
      %dma_start3A_69 = tpu.memref_slice %arg3[%mul3A_8, %dma_start3A_68] : memref<10240x32xi32, #tpu.memory_space<hbm>> -> memref<320x32xi32, #tpu.memory_space<hbm>>
      %dma_start3A_70 = arith.constant 0 : i32
      %dma_start3A_71 = tpu.memref_slice %arg3[%mul3A_8, %dma_start3A_70] : memref<10240x32xi32, #tpu.memory_space<hbm>> -> memref<320x32xi32, #tpu.memory_space<hbm>>
      tpu.enqueue_dma source(%dma_start3A_71 : memref<320x32xi32, #tpu.memory_space<hbm>>) target(%arg7 : memref<320x32xi32, #tpu.memory_space<vmem>>) target_semaphore(%run_scoped3A : memref<!tpu.dma_semaphore, #tpu.memory_space<semaphore_mem>>)
      %dma_wait3A_72 = arith.constant 0 : i32
      %dma_wait3A_73 = tpu.memref_slice %arg3[%mul3A_8, %dma_wait3A_72] : memref<10240x32xi32, #tpu.memory_space<hbm>> -> memref<320x32xi32, #tpu.memory_space<hbm>>
      %dma_wait3A_74 = arith.constant 0 : i32
      %dma_wait3A_75 = tpu.memref_slice %arg3[%mul3A_8, %dma_wait3A_74] : memref<10240x32xi32, #tpu.memory_space<hbm>> -> memref<320x32xi32, #tpu.memory_space<hbm>>
      tpu.wait_dma2 semaphore(%run_scoped3A : memref<!tpu.dma_semaphore, #tpu.memory_space<semaphore_mem>>) src(%dma_wait3A_75 : memref<320x32xi32, #tpu.memory_space<hbm>>) dst(%arg7 : memref<320x32xi32, #tpu.memory_space<vmem>>)
      tpu.yield
    }) : () -> ()
    %mul3A_9 = arith.constant 320 : i32
    %mul3A_10 = arith.muli %add3A, %mul3A_9 : i32
    "tpu.region"() ({
      %run_scoped3A = tpu.sem_alloc : memref<!tpu.dma_semaphore, #tpu.memory_space<semaphore_mem>>
      %dma_start3A_68 = arith.constant 0 : i32
      %dma_start3A_69 = tpu.memref_slice %arg4[%mul3A_10, %dma_start3A_68] : memref<10240x32xi32, #tpu.memory_space<hbm>> -> memref<320x32xi32, #tpu.memory_space<hbm>>
      %dma_start3A_70 = arith.constant 0 : i32
      %dma_start3A_71 = tpu.memref_slice %arg4[%mul3A_10, %dma_start3A_70] : memref<10240x32xi32, #tpu.memory_space<hbm>> -> memref<320x32xi32, #tpu.memory_space<hbm>>
      tpu.enqueue_dma source(%dma_start3A_71 : memref<320x32xi32, #tpu.memory_space<hbm>>) target(%arg8 : memref<320x32xi32, #tpu.memory_space<vmem>>) target_semaphore(%run_scoped3A : memref<!tpu.dma_semaphore, #tpu.memory_space<semaphore_mem>>)
      %dma_wait3A_72 = arith.constant 0 : i32
      %dma_wait3A_73 = tpu.memref_slice %arg4[%mul3A_10, %dma_wait3A_72] : memref<10240x32xi32, #tpu.memory_space<hbm>> -> memref<320x32xi32, #tpu.memory_space<hbm>>
      %dma_wait3A_74 = arith.constant 0 : i32
      %dma_wait3A_75 = tpu.memref_slice %arg4[%mul3A_10, %dma_wait3A_74] : memref<10240x32xi32, #tpu.memory_space<hbm>> -> memref<320x32xi32, #tpu.memory_space<hbm>>
      tpu.wait_dma2 semaphore(%run_scoped3A : memref<!tpu.dma_semaphore, #tpu.memory_space<semaphore_mem>>) src(%dma_wait3A_75 : memref<320x32xi32, #tpu.memory_space<hbm>>) dst(%arg8 : memref<320x32xi32, #tpu.memory_space<vmem>>)
      tpu.yield
    }) : () -> ()
    %barrier3A = arith.constant 0 : index
    tpu.barrier barrier_id(%barrier3A)
    %dma_start3A = arith.constant 0 : i32
    %dma_start3A_11 = arith.constant 0 : i32
    %dma_start3A_12 = tpu.memref_slice %arg7[%dma_start3A, %dma_start3A_11] : memref<320x32xi32, #tpu.memory_space<vmem>> -> memref<1x32xi32, #tpu.memory_space<vmem>>
    %dma_start3A_13 = tpu.memref_squeeze %dma_start3A_12 : memref<1x32xi32, #tpu.memory_space<vmem>> -> memref<32xi32, #tpu.memory_space<vmem>>
    %dma_start3A_14 = arith.constant 0 : i32
    %dma_start3A_15 = arith.constant 0 : i32
    %dma_start3A_16 = tpu.memref_slice %arg22[%dma_start3A_14, %dma_start3A_15] : memref<10000x160xbf16, #tpu.memory_space<vmem_shared>> -> memref<10000x160xbf16, #tpu.memory_space<vmem_shared>>
    tpu.enqueue_indirect_dma source(%dma_start3A_16 : memref<10000x160xbf16, #tpu.memory_space<vmem_shared>>) target(%arg9 : memref<32x160xbf16, #tpu.memory_space<vmem>>) offsets(%dma_start3A_13 : memref<32xi32, #tpu.memory_space<vmem>>) semaphore(%arg13 : memref<!tpu.dma_semaphore, #tpu.memory_space<semaphore_mem>>)
    %dma_start3A_17 = arith.constant 1 : i32
    %dma_start3A_18 = arith.constant 0 : i32
    %dma_start3A_19 = tpu.memref_slice %arg7[%dma_start3A_17, %dma_start3A_18] : memref<320x32xi32, #tpu.memory_space<vmem>> -> memref<1x32xi32, #tpu.memory_space<vmem>>
    %dma_start3A_20 = tpu.memref_squeeze %dma_start3A_19 : memref<1x32xi32, #tpu.memory_space<vmem>> -> memref<32xi32, #tpu.memory_space<vmem>>
    %dma_start3A_21 = arith.constant 0 : i32
    %dma_start3A_22 = arith.constant 0 : i32
    %dma_start3A_23 = tpu.memref_slice %arg22[%dma_start3A_21, %dma_start3A_22] : memref<10000x160xbf16, #tpu.memory_space<vmem_shared>> -> memref<10000x160xbf16, #tpu.memory_space<vmem_shared>>
    tpu.enqueue_indirect_dma source(%dma_start3A_23 : memref<10000x160xbf16, #tpu.memory_space<vmem_shared>>) target(%arg10 : memref<32x160xbf16, #tpu.memory_space<vmem>>) offsets(%dma_start3A_20 : memref<32xi32, #tpu.memory_space<vmem>>) semaphore(%arg14 : memref<!tpu.dma_semaphore, #tpu.memory_space<semaphore_mem>>)
    %dma_start3A_24 = arith.constant 2 : i32
    %dma_start3A_25 = arith.constant 0 : i32
    %dma_start3A_26 = tpu.memref_slice %arg7[%dma_start3A_24, %dma_start3A_25] : memref<320x32xi32, #tpu.memory_space<vmem>> -> memref<1x32xi32, #tpu.memory_space<vmem>>
    %dma_start3A_27 = tpu.memref_squeeze %dma_start3A_26 : memref<1x32xi32, #tpu.memory_space<vmem>> -> memref<32xi32, #tpu.memory_space<vmem>>
    %dma_start3A_28 = arith.constant 0 : i32
    %dma_start3A_29 = arith.constant 0 : i32
    %dma_start3A_30 = tpu.memref_slice %arg22[%dma_start3A_28, %dma_start3A_29] : memref<10000x160xbf16, #tpu.memory_space<vmem_shared>> -> memref<10000x160xbf16, #tpu.memory_space<vmem_shared>>
    tpu.enqueue_indirect_dma source(%dma_start3A_30 : memref<10000x160xbf16, #tpu.memory_space<vmem_shared>>) target(%arg11 : memref<32x160xbf16, #tpu.memory_space<vmem>>) offsets(%dma_start3A_27 : memref<32xi32, #tpu.memory_space<vmem>>) semaphore(%arg15 : memref<!tpu.dma_semaphore, #tpu.memory_space<semaphore_mem>>)
    %scan3A = arith.constant 0 : i32
    %scan3A_31 = arith.constant 0 : i32
    %scan3A_32 = arith.constant 80 : i32
    %scan3A_33 = arith.addi %scan3A_31, %scan3A_32 : i32
    %scan3A_34 = arith.constant 1 : i32
    scf.for %scan3A_68 = %scan3A_31 to %scan3A_33 step %scan3A_34  : i32 {
      %mul3A_69 = arith.constant 4 : i32
      %mul3A_70 = arith.muli %scan3A_68, %mul3A_69 : i32
      %add3A_71 = arith.constant 0 : i32
      %add3A_72 = arith.addi %mul3A_70, %add3A_71 : i32
      %add3A_73 = arith.constant 4 : i32
      %add3A_74 = arith.addi %add3A_72, %add3A_73 : i32
      %sub3A = arith.constant 1 : i32
      %sub3A_75 = arith.subi %add3A_74, %sub3A : i32
      %lt3A = arith.constant 320 : i32
      %lt3A_76 = arith.cmpi slt, %sub3A_75, %lt3A : i32
      %convert_element_type3A = arith.extui %lt3A_76 : i1 to i32
      %cond3A = arith.constant 0 : i32
      %cond3A_77 = arith.cmpi ne, %convert_element_type3A, %cond3A : i32
      scf.if %cond3A_77 {
        %gt3A = arith.constant 0 : i32
        %gt3A_159 = arith.cmpi sgt, %add3A_72, %gt3A : i32
        %convert_element_type3A_160 = arith.extui %gt3A_159 : i1 to i32
        %cond3A_161 = arith.constant 0 : i32
        %cond3A_162 = arith.cmpi ne, %convert_element_type3A_160, %cond3A_161 : i32
        scf.if %cond3A_162 {
          %sub3A_173 = arith.constant 1 : i32
          %sub3A_174 = arith.subi %add3A_72, %sub3A_173 : i32
          %dma_wait3A_175 = arith.constant 0 : i32
          %dma_wait3A_176 = tpu.memref_slice %arg8[%sub3A_174, %dma_wait3A_175] : memref<320x32xi32, #tpu.memory_space<vmem>> -> memref<1x32xi32, #tpu.memory_space<vmem>>
          %dma_wait3A_177 = tpu.memref_squeeze %dma_wait3A_176 : memref<1x32xi32, #tpu.memory_space<vmem>> -> memref<32xi32, #tpu.memory_space<vmem>>
          %dma_wait3A_178 = arith.constant 0 : i32
          %dma_wait3A_179 = arith.constant 0 : i32
          %dma_wait3A_180 = tpu.memref_slice %arg21[%dma_wait3A_178, %dma_wait3A_179] : memref<10016x160xbf16, #tpu.memory_space<vmem_shared>> -> memref<10016x160xbf16, #tpu.memory_space<vmem_shared>>
          tpu.wait_indirect_dma semaphore(%arg20 : memref<!tpu.dma_semaphore, #tpu.memory_space<semaphore_mem>>) src(%arg12 : memref<32x160xbf16, #tpu.memory_space<vmem>>) dst(%dma_wait3A_180 : memref<10016x160xbf16, #tpu.memory_space<vmem_shared>>)
        } else {
        }
        %add3A_163 = arith.constant 4 : i32
        %add3A_164 = arith.addi %add3A_72, %add3A_163 : i32
        %sub3A_165 = arith.constant 1 : i32
        %sub3A_166 = arith.subi %add3A_164, %sub3A_165 : i32
        %dma_start3A_167 = arith.constant 0 : i32
        %dma_start3A_168 = tpu.memref_slice %arg7[%sub3A_166, %dma_start3A_167] : memref<320x32xi32, #tpu.memory_space<vmem>> -> memref<1x32xi32, #tpu.memory_space<vmem>>
        %dma_start3A_169 = tpu.memref_squeeze %dma_start3A_168 : memref<1x32xi32, #tpu.memory_space<vmem>> -> memref<32xi32, #tpu.memory_space<vmem>>
        %dma_start3A_170 = arith.constant 0 : i32
        %dma_start3A_171 = arith.constant 0 : i32
        %dma_start3A_172 = tpu.memref_slice %arg22[%dma_start3A_170, %dma_start3A_171] : memref<10000x160xbf16, #tpu.memory_space<vmem_shared>> -> memref<10000x160xbf16, #tpu.memory_space<vmem_shared>>
        tpu.enqueue_indirect_dma source(%dma_start3A_172 : memref<10000x160xbf16, #tpu.memory_space<vmem_shared>>) target(%arg12 : memref<32x160xbf16, #tpu.memory_space<vmem>>) offsets(%dma_start3A_169 : memref<32xi32, #tpu.memory_space<vmem>>) semaphore(%arg16 : memref<!tpu.dma_semaphore, #tpu.memory_space<semaphore_mem>>)
      } else {
      }
      %dma_wait3A_78 = arith.constant 0 : i32
      %dma_wait3A_79 = tpu.memref_slice %arg7[%add3A_72, %dma_wait3A_78] : memref<320x32xi32, #tpu.memory_space<vmem>> -> memref<1x32xi32, #tpu.memory_space<vmem>>
      %dma_wait3A_80 = tpu.memref_squeeze %dma_wait3A_79 : memref<1x32xi32, #tpu.memory_space<vmem>> -> memref<32xi32, #tpu.memory_space<vmem>>
      %dma_wait3A_81 = arith.constant 0 : i32
      %dma_wait3A_82 = arith.constant 0 : i32
      %dma_wait3A_83 = tpu.memref_slice %arg22[%dma_wait3A_81, %dma_wait3A_82] : memref<10000x160xbf16, #tpu.memory_space<vmem_shared>> -> memref<10000x160xbf16, #tpu.memory_space<vmem_shared>>
      tpu.wait_indirect_dma semaphore(%arg13 : memref<!tpu.dma_semaphore, #tpu.memory_space<semaphore_mem>>) src(%dma_wait3A_83 : memref<10000x160xbf16, #tpu.memory_space<vmem_shared>>) dst(%arg9 : memref<32x160xbf16, #tpu.memory_space<vmem>>)
      %dma_start3A_84 = arith.constant 0 : i32
      %dma_start3A_85 = tpu.memref_slice %arg8[%add3A_72, %dma_start3A_84] : memref<320x32xi32, #tpu.memory_space<vmem>> -> memref<1x32xi32, #tpu.memory_space<vmem>>
      %dma_start3A_86 = tpu.memref_squeeze %dma_start3A_85 : memref<1x32xi32, #tpu.memory_space<vmem>> -> memref<32xi32, #tpu.memory_space<vmem>>
      %dma_start3A_87 = arith.constant 0 : i32
      %dma_start3A_88 = arith.constant 0 : i32
      %dma_start3A_89 = tpu.memref_slice %arg21[%dma_start3A_87, %dma_start3A_88] : memref<10016x160xbf16, #tpu.memory_space<vmem_shared>> -> memref<10016x160xbf16, #tpu.memory_space<vmem_shared>>
      tpu.enqueue_indirect_dma source(%arg9 : memref<32x160xbf16, #tpu.memory_space<vmem>>) target(%dma_start3A_89 : memref<10016x160xbf16, #tpu.memory_space<vmem_shared>>) offsets(%dma_start3A_86 : memref<32xi32, #tpu.memory_space<vmem>>) semaphore(%arg17 : memref<!tpu.dma_semaphore, #tpu.memory_space<semaphore_mem>>) {add = true}
      %add3A_90 = arith.constant 1 : i32
      %add3A_91 = arith.addi %mul3A_70, %add3A_90 : i32
      %add3A_92 = arith.constant 4 : i32
      %add3A_93 = arith.addi %add3A_91, %add3A_92 : i32
      %sub3A_94 = arith.constant 1 : i32
      %sub3A_95 = arith.subi %add3A_93, %sub3A_94 : i32
      %lt3A_96 = arith.constant 320 : i32
      %lt3A_97 = arith.cmpi slt, %sub3A_95, %lt3A_96 : i32
      %convert_element_type3A_98 = arith.extui %lt3A_97 : i1 to i32
      %cond3A_99 = arith.constant 0 : i32
      %cond3A_100 = arith.cmpi ne, %convert_element_type3A_98, %cond3A_99 : i32
      scf.if %cond3A_100 {
        %gt3A = arith.constant 0 : i32
        %gt3A_159 = arith.cmpi sgt, %add3A_91, %gt3A : i32
        %convert_element_type3A_160 = arith.extui %gt3A_159 : i1 to i32
        %cond3A_161 = arith.constant 0 : i32
        %cond3A_162 = arith.cmpi ne, %convert_element_type3A_160, %cond3A_161 : i32
        scf.if %cond3A_162 {
          %sub3A_173 = arith.constant 1 : i32
          %sub3A_174 = arith.subi %add3A_91, %sub3A_173 : i32
          %dma_wait3A_175 = arith.constant 0 : i32
          %dma_wait3A_176 = tpu.memref_slice %arg8[%sub3A_174, %dma_wait3A_175] : memref<320x32xi32, #tpu.memory_space<vmem>> -> memref<1x32xi32, #tpu.memory_space<vmem>>
          %dma_wait3A_177 = tpu.memref_squeeze %dma_wait3A_176 : memref<1x32xi32, #tpu.memory_space<vmem>> -> memref<32xi32, #tpu.memory_space<vmem>>
          %dma_wait3A_178 = arith.constant 0 : i32
          %dma_wait3A_179 = arith.constant 0 : i32
          %dma_wait3A_180 = tpu.memref_slice %arg21[%dma_wait3A_178, %dma_wait3A_179] : memref<10016x160xbf16, #tpu.memory_space<vmem_shared>> -> memref<10016x160xbf16, #tpu.memory_space<vmem_shared>>
          tpu.wait_indirect_dma semaphore(%arg17 : memref<!tpu.dma_semaphore, #tpu.memory_space<semaphore_mem>>) src(%arg9 : memref<32x160xbf16, #tpu.memory_space<vmem>>) dst(%dma_wait3A_180 : memref<10016x160xbf16, #tpu.memory_space<vmem_shared>>)
        } else {
        }
        %add3A_163 = arith.constant 4 : i32
        %add3A_164 = arith.addi %add3A_91, %add3A_163 : i32
        %sub3A_165 = arith.constant 1 : i32
        %sub3A_166 = arith.subi %add3A_164, %sub3A_165 : i32
        %dma_start3A_167 = arith.constant 0 : i32
        %dma_start3A_168 = tpu.memref_slice %arg7[%sub3A_166, %dma_start3A_167] : memref<320x32xi32, #tpu.memory_space<vmem>> -> memref<1x32xi32, #tpu.memory_space<vmem>>
        %dma_start3A_169 = tpu.memref_squeeze %dma_start3A_168 : memref<1x32xi32, #tpu.memory_space<vmem>> -> memref<32xi32, #tpu.memory_space<vmem>>
        %dma_start3A_170 = arith.constant 0 : i32
        %dma_start3A_171 = arith.constant 0 : i32
        %dma_start3A_172 = tpu.memref_slice %arg22[%dma_start3A_170, %dma_start3A_171] : memref<10000x160xbf16, #tpu.memory_space<vmem_shared>> -> memref<10000x160xbf16, #tpu.memory_space<vmem_shared>>
        tpu.enqueue_indirect_dma source(%dma_start3A_172 : memref<10000x160xbf16, #tpu.memory_space<vmem_shared>>) target(%arg9 : memref<32x160xbf16, #tpu.memory_space<vmem>>) offsets(%dma_start3A_169 : memref<32xi32, #tpu.memory_space<vmem>>) semaphore(%arg13 : memref<!tpu.dma_semaphore, #tpu.memory_space<semaphore_mem>>)
      } else {
      }
      %dma_wait3A_101 = arith.constant 0 : i32
      %dma_wait3A_102 = tpu.memref_slice %arg7[%add3A_91, %dma_wait3A_101] : memref<320x32xi32, #tpu.memory_space<vmem>> -> memref<1x32xi32, #tpu.memory_space<vmem>>
      %dma_wait3A_103 = tpu.memref_squeeze %dma_wait3A_102 : memref<1x32xi32, #tpu.memory_space<vmem>> -> memref<32xi32, #tpu.memory_space<vmem>>
      %dma_wait3A_104 = arith.constant 0 : i32
      %dma_wait3A_105 = arith.constant 0 : i32
      %dma_wait3A_106 = tpu.memref_slice %arg22[%dma_wait3A_104, %dma_wait3A_105] : memref<10000x160xbf16, #tpu.memory_space<vmem_shared>> -> memref<10000x160xbf16, #tpu.memory_space<vmem_shared>>
      tpu.wait_indirect_dma semaphore(%arg14 : memref<!tpu.dma_semaphore, #tpu.memory_space<semaphore_mem>>) src(%dma_wait3A_106 : memref<10000x160xbf16, #tpu.memory_space<vmem_shared>>) dst(%arg10 : memref<32x160xbf16, #tpu.memory_space<vmem>>)
      %dma_start3A_107 = arith.constant 0 : i32
      %dma_start3A_108 = tpu.memref_slice %arg8[%add3A_91, %dma_start3A_107] : memref<320x32xi32, #tpu.memory_space<vmem>> -> memref<1x32xi32, #tpu.memory_space<vmem>>
      %dma_start3A_109 = tpu.memref_squeeze %dma_start3A_108 : memref<1x32xi32, #tpu.memory_space<vmem>> -> memref<32xi32, #tpu.memory_space<vmem>>
      %dma_start3A_110 = arith.constant 0 : i32
      %dma_start3A_111 = arith.constant 0 : i32
      %dma_start3A_112 = tpu.memref_slice %arg21[%dma_start3A_110, %dma_start3A_111] : memref<10016x160xbf16, #tpu.memory_space<vmem_shared>> -> memref<10016x160xbf16, #tpu.memory_space<vmem_shared>>
      tpu.enqueue_indirect_dma source(%arg10 : memref<32x160xbf16, #tpu.memory_space<vmem>>) target(%dma_start3A_112 : memref<10016x160xbf16, #tpu.memory_space<vmem_shared>>) offsets(%dma_start3A_109 : memref<32xi32, #tpu.memory_space<vmem>>) semaphore(%arg18 : memref<!tpu.dma_semaphore, #tpu.memory_space<semaphore_mem>>) {add = true}
      %add3A_113 = arith.constant 2 : i32
      %add3A_114 = arith.addi %mul3A_70, %add3A_113 : i32
      %add3A_115 = arith.constant 4 : i32
      %add3A_116 = arith.addi %add3A_114, %add3A_115 : i32
      %sub3A_117 = arith.constant 1 : i32
      %sub3A_118 = arith.subi %add3A_116, %sub3A_117 : i32
      %lt3A_119 = arith.constant 320 : i32
      %lt3A_120 = arith.cmpi slt, %sub3A_118, %lt3A_119 : i32
      %convert_element_type3A_121 = arith.extui %lt3A_120 : i1 to i32
      %cond3A_122 = arith.constant 0 : i32
      %cond3A_123 = arith.cmpi ne, %convert_element_type3A_121, %cond3A_122 : i32
      scf.if %cond3A_123 {
        %gt3A = arith.constant 0 : i32
        %gt3A_159 = arith.cmpi sgt, %add3A_114, %gt3A : i32
        %convert_element_type3A_160 = arith.extui %gt3A_159 : i1 to i32
        %cond3A_161 = arith.constant 0 : i32
        %cond3A_162 = arith.cmpi ne, %convert_element_type3A_160, %cond3A_161 : i32
        scf.if %cond3A_162 {
          %sub3A_173 = arith.constant 1 : i32
          %sub3A_174 = arith.subi %add3A_114, %sub3A_173 : i32
          %dma_wait3A_175 = arith.constant 0 : i32
          %dma_wait3A_176 = tpu.memref_slice %arg8[%sub3A_174, %dma_wait3A_175] : memref<320x32xi32, #tpu.memory_space<vmem>> -> memref<1x32xi32, #tpu.memory_space<vmem>>
          %dma_wait3A_177 = tpu.memref_squeeze %dma_wait3A_176 : memref<1x32xi32, #tpu.memory_space<vmem>> -> memref<32xi32, #tpu.memory_space<vmem>>
          %dma_wait3A_178 = arith.constant 0 : i32
          %dma_wait3A_179 = arith.constant 0 : i32
          %dma_wait3A_180 = tpu.memref_slice %arg21[%dma_wait3A_178, %dma_wait3A_179] : memref<10016x160xbf16, #tpu.memory_space<vmem_shared>> -> memref<10016x160xbf16, #tpu.memory_space<vmem_shared>>
          tpu.wait_indirect_dma semaphore(%arg18 : memref<!tpu.dma_semaphore, #tpu.memory_space<semaphore_mem>>) src(%arg10 : memref<32x160xbf16, #tpu.memory_space<vmem>>) dst(%dma_wait3A_180 : memref<10016x160xbf16, #tpu.memory_space<vmem_shared>>)
        } else {
        }
        %add3A_163 = arith.constant 4 : i32
        %add3A_164 = arith.addi %add3A_114, %add3A_163 : i32
        %sub3A_165 = arith.constant 1 : i32
        %sub3A_166 = arith.subi %add3A_164, %sub3A_165 : i32
        %dma_start3A_167 = arith.constant 0 : i32
        %dma_start3A_168 = tpu.memref_slice %arg7[%sub3A_166, %dma_start3A_167] : memref<320x32xi32, #tpu.memory_space<vmem>> -> memref<1x32xi32, #tpu.memory_space<vmem>>
        %dma_start3A_169 = tpu.memref_squeeze %dma_start3A_168 : memref<1x32xi32, #tpu.memory_space<vmem>> -> memref<32xi32, #tpu.memory_space<vmem>>
        %dma_start3A_170 = arith.constant 0 : i32
        %dma_start3A_171 = arith.constant 0 : i32
        %dma_start3A_172 = tpu.memref_slice %arg22[%dma_start3A_170, %dma_start3A_171] : memref<10000x160xbf16, #tpu.memory_space<vmem_shared>> -> memref<10000x160xbf16, #tpu.memory_space<vmem_shared>>
        tpu.enqueue_indirect_dma source(%dma_start3A_172 : memref<10000x160xbf16, #tpu.memory_space<vmem_shared>>) target(%arg10 : memref<32x160xbf16, #tpu.memory_space<vmem>>) offsets(%dma_start3A_169 : memref<32xi32, #tpu.memory_space<vmem>>) semaphore(%arg14 : memref<!tpu.dma_semaphore, #tpu.memory_space<semaphore_mem>>)
      } else {
      }
      %dma_wait3A_124 = arith.constant 0 : i32
      %dma_wait3A_125 = tpu.memref_slice %arg7[%add3A_114, %dma_wait3A_124] : memref<320x32xi32, #tpu.memory_space<vmem>> -> memref<1x32xi32, #tpu.memory_space<vmem>>
      %dma_wait3A_126 = tpu.memref_squeeze %dma_wait3A_125 : memref<1x32xi32, #tpu.memory_space<vmem>> -> memref<32xi32, #tpu.memory_space<vmem>>
      %dma_wait3A_127 = arith.constant 0 : i32
      %dma_wait3A_128 = arith.constant 0 : i32
      %dma_wait3A_129 = tpu.memref_slice %arg22[%dma_wait3A_127, %dma_wait3A_128] : memref<10000x160xbf16, #tpu.memory_space<vmem_shared>> -> memref<10000x160xbf16, #tpu.memory_space<vmem_shared>>
      tpu.wait_indirect_dma semaphore(%arg15 : memref<!tpu.dma_semaphore, #tpu.memory_space<semaphore_mem>>) src(%dma_wait3A_129 : memref<10000x160xbf16, #tpu.memory_space<vmem_shared>>) dst(%arg11 : memref<32x160xbf16, #tpu.memory_space<vmem>>)
      %dma_start3A_130 = arith.constant 0 : i32
      %dma_start3A_131 = tpu.memref_slice %arg8[%add3A_114, %dma_start3A_130] : memref<320x32xi32, #tpu.memory_space<vmem>> -> memref<1x32xi32, #tpu.memory_space<vmem>>
      %dma_start3A_132 = tpu.memref_squeeze %dma_start3A_131 : memref<1x32xi32, #tpu.memory_space<vmem>> -> memref<32xi32, #tpu.memory_space<vmem>>
      %dma_start3A_133 = arith.constant 0 : i32
      %dma_start3A_134 = arith.constant 0 : i32
      %dma_start3A_135 = tpu.memref_slice %arg21[%dma_start3A_133, %dma_start3A_134] : memref<10016x160xbf16, #tpu.memory_space<vmem_shared>> -> memref<10016x160xbf16, #tpu.memory_space<vmem_shared>>
      tpu.enqueue_indirect_dma source(%arg11 : memref<32x160xbf16, #tpu.memory_space<vmem>>) target(%dma_start3A_135 : memref<10016x160xbf16, #tpu.memory_space<vmem_shared>>) offsets(%dma_start3A_132 : memref<32xi32, #tpu.memory_space<vmem>>) semaphore(%arg19 : memref<!tpu.dma_semaphore, #tpu.memory_space<semaphore_mem>>) {add = true}
      %add3A_136 = arith.constant 3 : i32
      %add3A_137 = arith.addi %mul3A_70, %add3A_136 : i32
      %add3A_138 = arith.constant 4 : i32
      %add3A_139 = arith.addi %add3A_137, %add3A_138 : i32
      %sub3A_140 = arith.constant 1 : i32
      %sub3A_141 = arith.subi %add3A_139, %sub3A_140 : i32
      %lt3A_142 = arith.constant 320 : i32
      %lt3A_143 = arith.cmpi slt, %sub3A_141, %lt3A_142 : i32
      %convert_element_type3A_144 = arith.extui %lt3A_143 : i1 to i32
      %cond3A_145 = arith.constant 0 : i32
      %cond3A_146 = arith.cmpi ne, %convert_element_type3A_144, %cond3A_145 : i32
      scf.if %cond3A_146 {
        %gt3A = arith.constant 0 : i32
        %gt3A_159 = arith.cmpi sgt, %add3A_137, %gt3A : i32
        %convert_element_type3A_160 = arith.extui %gt3A_159 : i1 to i32
        %cond3A_161 = arith.constant 0 : i32
        %cond3A_162 = arith.cmpi ne, %convert_element_type3A_160, %cond3A_161 : i32
        scf.if %cond3A_162 {
          %sub3A_173 = arith.constant 1 : i32
          %sub3A_174 = arith.subi %add3A_137, %sub3A_173 : i32
          %dma_wait3A_175 = arith.constant 0 : i32
          %dma_wait3A_176 = tpu.memref_slice %arg8[%sub3A_174, %dma_wait3A_175] : memref<320x32xi32, #tpu.memory_space<vmem>> -> memref<1x32xi32, #tpu.memory_space<vmem>>
          %dma_wait3A_177 = tpu.memref_squeeze %dma_wait3A_176 : memref<1x32xi32, #tpu.memory_space<vmem>> -> memref<32xi32, #tpu.memory_space<vmem>>
          %dma_wait3A_178 = arith.constant 0 : i32
          %dma_wait3A_179 = arith.constant 0 : i32
          %dma_wait3A_180 = tpu.memref_slice %arg21[%dma_wait3A_178, %dma_wait3A_179] : memref<10016x160xbf16, #tpu.memory_space<vmem_shared>> -> memref<10016x160xbf16, #tpu.memory_space<vmem_shared>>
          tpu.wait_indirect_dma semaphore(%arg19 : memref<!tpu.dma_semaphore, #tpu.memory_space<semaphore_mem>>) src(%arg11 : memref<32x160xbf16, #tpu.memory_space<vmem>>) dst(%dma_wait3A_180 : memref<10016x160xbf16, #tpu.memory_space<vmem_shared>>)
        } else {
        }
        %add3A_163 = arith.constant 4 : i32
        %add3A_164 = arith.addi %add3A_137, %add3A_163 : i32
        %sub3A_165 = arith.constant 1 : i32
        %sub3A_166 = arith.subi %add3A_164, %sub3A_165 : i32
        %dma_start3A_167 = arith.constant 0 : i32
        %dma_start3A_168 = tpu.memref_slice %arg7[%sub3A_166, %dma_start3A_167] : memref<320x32xi32, #tpu.memory_space<vmem>> -> memref<1x32xi32, #tpu.memory_space<vmem>>
        %dma_start3A_169 = tpu.memref_squeeze %dma_start3A_168 : memref<1x32xi32, #tpu.memory_space<vmem>> -> memref<32xi32, #tpu.memory_space<vmem>>
        %dma_start3A_170 = arith.constant 0 : i32
        %dma_start3A_171 = arith.constant 0 : i32
        %dma_start3A_172 = tpu.memref_slice %arg22[%dma_start3A_170, %dma_start3A_171] : memref<10000x160xbf16, #tpu.memory_space<vmem_shared>> -> memref<10000x160xbf16, #tpu.memory_space<vmem_shared>>
        tpu.enqueue_indirect_dma source(%dma_start3A_172 : memref<10000x160xbf16, #tpu.memory_space<vmem_shared>>) target(%arg11 : memref<32x160xbf16, #tpu.memory_space<vmem>>) offsets(%dma_start3A_169 : memref<32xi32, #tpu.memory_space<vmem>>) semaphore(%arg15 : memref<!tpu.dma_semaphore, #tpu.memory_space<semaphore_mem>>)
      } else {
      }
      %dma_wait3A_147 = arith.constant 0 : i32
      %dma_wait3A_148 = tpu.memref_slice %arg7[%add3A_137, %dma_wait3A_147] : memref<320x32xi32, #tpu.memory_space<vmem>> -> memref<1x32xi32, #tpu.memory_space<vmem>>
      %dma_wait3A_149 = tpu.memref_squeeze %dma_wait3A_148 : memref<1x32xi32, #tpu.memory_space<vmem>> -> memref<32xi32, #tpu.memory_space<vmem>>
      %dma_wait3A_150 = arith.constant 0 : i32
      %dma_wait3A_151 = arith.constant 0 : i32
      %dma_wait3A_152 = tpu.memref_slice %arg22[%dma_wait3A_150, %dma_wait3A_151] : memref<10000x160xbf16, #tpu.memory_space<vmem_shared>> -> memref<10000x160xbf16, #tpu.memory_space<vmem_shared>>
      tpu.wait_indirect_dma semaphore(%arg16 : memref<!tpu.dma_semaphore, #tpu.memory_space<semaphore_mem>>) src(%dma_wait3A_152 : memref<10000x160xbf16, #tpu.memory_space<vmem_shared>>) dst(%arg12 : memref<32x160xbf16, #tpu.memory_space<vmem>>)
      %dma_start3A_153 = arith.constant 0 : i32
      %dma_start3A_154 = tpu.memref_slice %arg8[%add3A_137, %dma_start3A_153] : memref<320x32xi32, #tpu.memory_space<vmem>> -> memref<1x32xi32, #tpu.memory_space<vmem>>
      %dma_start3A_155 = tpu.memref_squeeze %dma_start3A_154 : memref<1x32xi32, #tpu.memory_space<vmem>> -> memref<32xi32, #tpu.memory_space<vmem>>
      %dma_start3A_156 = arith.constant 0 : i32
      %dma_start3A_157 = arith.constant 0 : i32
      %dma_start3A_158 = tpu.memref_slice %arg21[%dma_start3A_156, %dma_start3A_157] : memref<10016x160xbf16, #tpu.memory_space<vmem_shared>> -> memref<10016x160xbf16, #tpu.memory_space<vmem_shared>>
      tpu.enqueue_indirect_dma source(%arg12 : memref<32x160xbf16, #tpu.memory_space<vmem>>) target(%dma_start3A_158 : memref<10016x160xbf16, #tpu.memory_space<vmem_shared>>) offsets(%dma_start3A_155 : memref<32xi32, #tpu.memory_space<vmem>>) semaphore(%arg20 : memref<!tpu.dma_semaphore, #tpu.memory_space<semaphore_mem>>) {add = true}
    }
    %scan3A_35 = arith.constant 80 : i32
    %dma_wait3A = arith.constant 316 : i32
    %dma_wait3A_36 = arith.constant 0 : i32
    %dma_wait3A_37 = tpu.memref_slice %arg8[%dma_wait3A, %dma_wait3A_36] : memref<320x32xi32, #tpu.memory_space<vmem>> -> memref<1x32xi32, #tpu.memory_space<vmem>>
    %dma_wait3A_38 = tpu.memref_squeeze %dma_wait3A_37 : memref<1x32xi32, #tpu.memory_space<vmem>> -> memref<32xi32, #tpu.memory_space<vmem>>
    %dma_wait3A_39 = arith.constant 0 : i32
    %dma_wait3A_40 = arith.constant 0 : i32
    %dma_wait3A_41 = tpu.memref_slice %arg21[%dma_wait3A_39, %dma_wait3A_40] : memref<10016x160xbf16, #tpu.memory_space<vmem_shared>> -> memref<10016x160xbf16, #tpu.memory_space<vmem_shared>>
    tpu.wait_indirect_dma semaphore(%arg17 : memref<!tpu.dma_semaphore, #tpu.memory_space<semaphore_mem>>) src(%arg9 : memref<32x160xbf16, #tpu.memory_space<vmem>>) dst(%dma_wait3A_41 : memref<10016x160xbf16, #tpu.memory_space<vmem_shared>>)
    %dma_wait3A_42 = arith.constant 317 : i32
    %dma_wait3A_43 = arith.constant 0 : i32
    %dma_wait3A_44 = tpu.memref_slice %arg8[%dma_wait3A_42, %dma_wait3A_43] : memref<320x32xi32, #tpu.memory_space<vmem>> -> memref<1x32xi32, #tpu.memory_space<vmem>>
    %dma_wait3A_45 = tpu.memref_squeeze %dma_wait3A_44 : memref<1x32xi32, #tpu.memory_space<vmem>> -> memref<32xi32, #tpu.memory_space<vmem>>
    %dma_wait3A_46 = arith.constant 0 : i32
    %dma_wait3A_47 = arith.constant 0 : i32
    %dma_wait3A_48 = tpu.memref_slice %arg21[%dma_wait3A_46, %dma_wait3A_47] : memref<10016x160xbf16, #tpu.memory_space<vmem_shared>> -> memref<10016x160xbf16, #tpu.memory_space<vmem_shared>>
    tpu.wait_indirect_dma semaphore(%arg18 : memref<!tpu.dma_semaphore, #tpu.memory_space<semaphore_mem>>) src(%arg10 : memref<32x160xbf16, #tpu.memory_space<vmem>>) dst(%dma_wait3A_48 : memref<10016x160xbf16, #tpu.memory_space<vmem_shared>>)
    %dma_wait3A_49 = arith.constant 318 : i32
    %dma_wait3A_50 = arith.constant 0 : i32
    %dma_wait3A_51 = tpu.memref_slice %arg8[%dma_wait3A_49, %dma_wait3A_50] : memref<320x32xi32, #tpu.memory_space<vmem>> -> memref<1x32xi32, #tpu.memory_space<vmem>>
    %dma_wait3A_52 = tpu.memref_squeeze %dma_wait3A_51 : memref<1x32xi32, #tpu.memory_space<vmem>> -> memref<32xi32, #tpu.memory_space<vmem>>
    %dma_wait3A_53 = arith.constant 0 : i32
    %dma_wait3A_54 = arith.constant 0 : i32
    %dma_wait3A_55 = tpu.memref_slice %arg21[%dma_wait3A_53, %dma_wait3A_54] : memref<10016x160xbf16, #tpu.memory_space<vmem_shared>> -> memref<10016x160xbf16, #tpu.memory_space<vmem_shared>>
    tpu.wait_indirect_dma semaphore(%arg19 : memref<!tpu.dma_semaphore, #tpu.memory_space<semaphore_mem>>) src(%arg11 : memref<32x160xbf16, #tpu.memory_space<vmem>>) dst(%dma_wait3A_55 : memref<10016x160xbf16, #tpu.memory_space<vmem_shared>>)
    %dma_wait3A_56 = arith.constant 319 : i32
    %dma_wait3A_57 = arith.constant 0 : i32
    %dma_wait3A_58 = tpu.memref_slice %arg8[%dma_wait3A_56, %dma_wait3A_57] : memref<320x32xi32, #tpu.memory_space<vmem>> -> memref<1x32xi32, #tpu.memory_space<vmem>>
    %dma_wait3A_59 = tpu.memref_squeeze %dma_wait3A_58 : memref<1x32xi32, #tpu.memory_space<vmem>> -> memref<32xi32, #tpu.memory_space<vmem>>
    %dma_wait3A_60 = arith.constant 0 : i32
    %dma_wait3A_61 = arith.constant 0 : i32
    %dma_wait3A_62 = tpu.memref_slice %arg21[%dma_wait3A_60, %dma_wait3A_61] : memref<10016x160xbf16, #tpu.memory_space<vmem_shared>> -> memref<10016x160xbf16, #tpu.memory_space<vmem_shared>>
    tpu.wait_indirect_dma semaphore(%arg20 : memref<!tpu.dma_semaphore, #tpu.memory_space<semaphore_mem>>) src(%arg12 : memref<32x160xbf16, #tpu.memory_space<vmem>>) dst(%dma_wait3A_62 : memref<10016x160xbf16, #tpu.memory_space<vmem_shared>>)
    %barrier3A_63 = arith.constant 0 : index
    tpu.barrier barrier_id(%barrier3A_63)
    %mul3A_64 = arith.constant 626 : i32
    %mul3A_65 = arith.muli %arg1, %mul3A_64 : i32
    %mul3A_66 = arith.constant 626 : i32
    %mul3A_67 = arith.muli %arg1, %mul3A_66 : i32
    "tpu.region"() ({
      %run_scoped3A = tpu.sem_alloc : memref<!tpu.dma_semaphore, #tpu.memory_space<semaphore_mem>>
      %dma_start3A_68 = arith.constant 0 : i32
      %dma_start3A_69 = tpu.memref_slice %arg6[%arg0, %mul3A_67, %dma_start3A_68] : memref<2x10016x160xbf16, #tpu.memory_space<hbm>> -> memref<1x626x160xbf16, #tpu.memory_space<hbm>>
      %dma_start3A_70 = tpu.memref_squeeze %dma_start3A_69 : memref<1x626x160xbf16, #tpu.memory_space<hbm>> -> memref<626x160xbf16, #tpu.memory_space<hbm>>
      %dma_start3A_71 = arith.constant 0 : i32
      %dma_start3A_72 = tpu.memref_slice %arg21[%mul3A_65, %dma_start3A_71] : memref<10016x160xbf16, #tpu.memory_space<vmem_shared>> -> memref<626x160xbf16, #tpu.memory_space<vmem_shared>>
      tpu.enqueue_dma source(%dma_start3A_72 : memref<626x160xbf16, #tpu.memory_space<vmem_shared>>) target(%dma_start3A_70 : memref<626x160xbf16, #tpu.memory_space<hbm>>) target_semaphore(%run_scoped3A : memref<!tpu.dma_semaphore, #tpu.memory_space<semaphore_mem>>)
      %dma_wait3A_73 = arith.constant 0 : i32
      %dma_wait3A_74 = tpu.memref_slice %arg6[%arg0, %mul3A_67, %dma_wait3A_73] : memref<2x10016x160xbf16, #tpu.memory_space<hbm>> -> memref<1x626x160xbf16, #tpu.memory_space<hbm>>
      %dma_wait3A_75 = tpu.memref_squeeze %dma_wait3A_74 : memref<1x626x160xbf16, #tpu.memory_space<hbm>> -> memref<626x160xbf16, #tpu.memory_space<hbm>>
      %dma_wait3A_76 = arith.constant 0 : i32
      %dma_wait3A_77 = tpu.memref_slice %arg21[%mul3A_65, %dma_wait3A_76] : memref<10016x160xbf16, #tpu.memory_space<vmem_shared>> -> memref<626x160xbf16, #tpu.memory_space<vmem_shared>>
      tpu.wait_dma2 semaphore(%run_scoped3A : memref<!tpu.dma_semaphore, #tpu.memory_space<semaphore_mem>>) src(%dma_wait3A_77 : memref<626x160xbf16, #tpu.memory_space<vmem_shared>>) dst(%dma_wait3A_75 : memref<626x160xbf16, #tpu.memory_space<hbm>>)
      tpu.yield
    }) : () -> ()
    return
  }
}

#map = affine_map<(d0, d1) -> (0, 0)>
#map1 = affine_map<(d0, d1) -> (0, 0, 0)>
module attributes {stable_mosaic.version = 14 : i64} {
  func.func @seg(%arg0: i32, %arg1: i32, %arg2: memref<10000x128xbf16, #tpu.memory_space<hbm>>, %arg3: memref<10240x32xi32, #tpu.memory_space<hbm>>, %arg4: memref<10240x32xi32, #tpu.memory_space<hbm>>, %arg5: memref<626x128xbf16, #tpu.memory_space<hbm>>, %arg6: memref<2x10016x128xbf16, #tpu.memory_space<hbm>>, %arg7: memref<320x32xi32, #tpu.memory_space<vmem>>, %arg8: memref<320x32xi32, #tpu.memory_space<vmem>>, %arg9: memref<32x128xbf16, #tpu.memory_space<vmem>>, %arg10: memref<32x128xbf16, #tpu.memory_space<vmem>>, %arg11: memref<32x128xbf16, #tpu.memory_space<vmem>>, %arg12: memref<32x128xbf16, #tpu.memory_space<vmem>>, %arg13: memref<!tpu.dma_semaphore, #tpu.memory_space<semaphore_mem>>, %arg14: memref<!tpu.dma_semaphore, #tpu.memory_space<semaphore_mem>>, %arg15: memref<!tpu.dma_semaphore, #tpu.memory_space<semaphore_mem>>, %arg16: memref<!tpu.dma_semaphore, #tpu.memory_space<semaphore_mem>>, %arg17: memref<!tpu.dma_semaphore, #tpu.memory_space<semaphore_mem>>, %arg18: memref<!tpu.dma_semaphore, #tpu.memory_space<semaphore_mem>>, %arg19: memref<!tpu.dma_semaphore, #tpu.memory_space<semaphore_mem>>, %arg20: memref<!tpu.dma_semaphore, #tpu.memory_space<semaphore_mem>>, %arg21: memref<10016x128xbf16, #tpu.memory_space<vmem_shared>>, %arg22: memref<10000x128xbf16, #tpu.memory_space<vmem_shared>>) attributes {dimension_semantics = [#tpu.dimension_semantics<core_parallel>, #tpu.dimension_semantics<subcore_parallel>], iteration_bounds = array<i64: 2, 16>, scalar_prefetch = 0 : i64, scratch_operands = 16 : i64, tpu.core_type = #tpu.core_type<sc_vector_subcore>, window_params = [{transform_indices = #map}, {transform_indices = #map}, {transform_indices = #map}, {transform_indices = #map}, {transform_indices = #map1}]} {
    %mul3A = arith.constant 2 : i32
    %mul3A_0 = arith.muli %arg1, %mul3A : i32
    %add3A = arith.addi %mul3A_0, %arg0 : i32
    %mul3A_1 = arith.constant 626 : i32
    %mul3A_2 = arith.muli %arg1, %mul3A_1 : i32
    "tpu.region"() ({
      %run_scoped3A = tpu.sem_alloc : memref<!tpu.dma_semaphore, #tpu.memory_space<semaphore_mem>>
      %dma_start3A_68 = arith.constant 0 : i32
      %dma_start3A_69 = tpu.memref_slice %arg21[%mul3A_2, %dma_start3A_68] : memref<10016x128xbf16, #tpu.memory_space<vmem_shared>> -> memref<626x128xbf16, #tpu.memory_space<vmem_shared>>
      tpu.enqueue_dma source(%arg5 : memref<626x128xbf16, #tpu.memory_space<hbm>>) target(%dma_start3A_69 : memref<626x128xbf16, #tpu.memory_space<vmem_shared>>) target_semaphore(%run_scoped3A : memref<!tpu.dma_semaphore, #tpu.memory_space<semaphore_mem>>)
      %dma_wait3A_70 = arith.constant 0 : i32
      %dma_wait3A_71 = tpu.memref_slice %arg21[%mul3A_2, %dma_wait3A_70] : memref<10016x128xbf16, #tpu.memory_space<vmem_shared>> -> memref<626x128xbf16, #tpu.memory_space<vmem_shared>>
      tpu.wait_dma2 semaphore(%run_scoped3A : memref<!tpu.dma_semaphore, #tpu.memory_space<semaphore_mem>>) src(%arg5 : memref<626x128xbf16, #tpu.memory_space<hbm>>) dst(%dma_wait3A_71 : memref<626x128xbf16, #tpu.memory_space<vmem_shared>>)
      tpu.yield
    }) : () -> ()
    %mul3A_3 = arith.constant 625 : i32
    %mul3A_4 = arith.muli %arg1, %mul3A_3 : i32
    %mul3A_5 = arith.constant 625 : i32
    %mul3A_6 = arith.muli %arg1, %mul3A_5 : i32
    "tpu.region"() ({
      %run_scoped3A = tpu.sem_alloc : memref<!tpu.dma_semaphore, #tpu.memory_space<semaphore_mem>>
      %dma_start3A_68 = arith.constant 0 : i32
      %dma_start3A_69 = tpu.memref_slice %arg22[%mul3A_6, %dma_start3A_68] : memref<10000x128xbf16, #tpu.memory_space<vmem_shared>> -> memref<625x128xbf16, #tpu.memory_space<vmem_shared>>
      %dma_start3A_70 = arith.constant 0 : i32
      %dma_start3A_71 = tpu.memref_slice %arg2[%mul3A_4, %dma_start3A_70] : memref<10000x128xbf16, #tpu.memory_space<hbm>> -> memref<625x128xbf16, #tpu.memory_space<hbm>>
      tpu.enqueue_dma source(%dma_start3A_71 : memref<625x128xbf16, #tpu.memory_space<hbm>>) target(%dma_start3A_69 : memref<625x128xbf16, #tpu.memory_space<vmem_shared>>) target_semaphore(%run_scoped3A : memref<!tpu.dma_semaphore, #tpu.memory_space<semaphore_mem>>)
      %dma_wait3A_72 = arith.constant 0 : i32
      %dma_wait3A_73 = tpu.memref_slice %arg22[%mul3A_6, %dma_wait3A_72] : memref<10000x128xbf16, #tpu.memory_space<vmem_shared>> -> memref<625x128xbf16, #tpu.memory_space<vmem_shared>>
      %dma_wait3A_74 = arith.constant 0 : i32
      %dma_wait3A_75 = tpu.memref_slice %arg2[%mul3A_4, %dma_wait3A_74] : memref<10000x128xbf16, #tpu.memory_space<hbm>> -> memref<625x128xbf16, #tpu.memory_space<hbm>>
      tpu.wait_dma2 semaphore(%run_scoped3A : memref<!tpu.dma_semaphore, #tpu.memory_space<semaphore_mem>>) src(%dma_wait3A_75 : memref<625x128xbf16, #tpu.memory_space<hbm>>) dst(%dma_wait3A_73 : memref<625x128xbf16, #tpu.memory_space<vmem_shared>>)
      tpu.yield
    }) : () -> ()
    %mul3A_7 = arith.constant 320 : i32
    %mul3A_8 = arith.muli %add3A, %mul3A_7 : i32
    "tpu.region"() ({
      %run_scoped3A = tpu.sem_alloc : memref<!tpu.dma_semaphore, #tpu.memory_space<semaphore_mem>>
      %dma_start3A_68 = arith.constant 0 : i32
      %dma_start3A_69 = tpu.memref_slice %arg3[%mul3A_8, %dma_start3A_68] : memref<10240x32xi32, #tpu.memory_space<hbm>> -> memref<320x32xi32, #tpu.memory_space<hbm>>
      %dma_start3A_70 = arith.constant 0 : i32
      %dma_start3A_71 = tpu.memref_slice %arg3[%mul3A_8, %dma_start3A_70] : memref<10240x32xi32, #tpu.memory_space<hbm>> -> memref<320x32xi32, #tpu.memory_space<hbm>>
      tpu.enqueue_dma source(%dma_start3A_71 : memref<320x32xi32, #tpu.memory_space<hbm>>) target(%arg7 : memref<320x32xi32, #tpu.memory_space<vmem>>) target_semaphore(%run_scoped3A : memref<!tpu.dma_semaphore, #tpu.memory_space<semaphore_mem>>)
      %dma_wait3A_72 = arith.constant 0 : i32
      %dma_wait3A_73 = tpu.memref_slice %arg3[%mul3A_8, %dma_wait3A_72] : memref<10240x32xi32, #tpu.memory_space<hbm>> -> memref<320x32xi32, #tpu.memory_space<hbm>>
      %dma_wait3A_74 = arith.constant 0 : i32
      %dma_wait3A_75 = tpu.memref_slice %arg3[%mul3A_8, %dma_wait3A_74] : memref<10240x32xi32, #tpu.memory_space<hbm>> -> memref<320x32xi32, #tpu.memory_space<hbm>>
      tpu.wait_dma2 semaphore(%run_scoped3A : memref<!tpu.dma_semaphore, #tpu.memory_space<semaphore_mem>>) src(%dma_wait3A_75 : memref<320x32xi32, #tpu.memory_space<hbm>>) dst(%arg7 : memref<320x32xi32, #tpu.memory_space<vmem>>)
      tpu.yield
    }) : () -> ()
    %mul3A_9 = arith.constant 320 : i32
    %mul3A_10 = arith.muli %add3A, %mul3A_9 : i32
    "tpu.region"() ({
      %run_scoped3A = tpu.sem_alloc : memref<!tpu.dma_semaphore, #tpu.memory_space<semaphore_mem>>
      %dma_start3A_68 = arith.constant 0 : i32
      %dma_start3A_69 = tpu.memref_slice %arg4[%mul3A_10, %dma_start3A_68] : memref<10240x32xi32, #tpu.memory_space<hbm>> -> memref<320x32xi32, #tpu.memory_space<hbm>>
      %dma_start3A_70 = arith.constant 0 : i32
      %dma_start3A_71 = tpu.memref_slice %arg4[%mul3A_10, %dma_start3A_70] : memref<10240x32xi32, #tpu.memory_space<hbm>> -> memref<320x32xi32, #tpu.memory_space<hbm>>
      tpu.enqueue_dma source(%dma_start3A_71 : memref<320x32xi32, #tpu.memory_space<hbm>>) target(%arg8 : memref<320x32xi32, #tpu.memory_space<vmem>>) target_semaphore(%run_scoped3A : memref<!tpu.dma_semaphore, #tpu.memory_space<semaphore_mem>>)
      %dma_wait3A_72 = arith.constant 0 : i32
      %dma_wait3A_73 = tpu.memref_slice %arg4[%mul3A_10, %dma_wait3A_72] : memref<10240x32xi32, #tpu.memory_space<hbm>> -> memref<320x32xi32, #tpu.memory_space<hbm>>
      %dma_wait3A_74 = arith.constant 0 : i32
      %dma_wait3A_75 = tpu.memref_slice %arg4[%mul3A_10, %dma_wait3A_74] : memref<10240x32xi32, #tpu.memory_space<hbm>> -> memref<320x32xi32, #tpu.memory_space<hbm>>
      tpu.wait_dma2 semaphore(%run_scoped3A : memref<!tpu.dma_semaphore, #tpu.memory_space<semaphore_mem>>) src(%dma_wait3A_75 : memref<320x32xi32, #tpu.memory_space<hbm>>) dst(%arg8 : memref<320x32xi32, #tpu.memory_space<vmem>>)
      tpu.yield
    }) : () -> ()
    %barrier3A = arith.constant 0 : index
    tpu.barrier barrier_id(%barrier3A)
    %dma_start3A = arith.constant 0 : i32
    %dma_start3A_11 = arith.constant 0 : i32
    %dma_start3A_12 = tpu.memref_slice %arg7[%dma_start3A, %dma_start3A_11] : memref<320x32xi32, #tpu.memory_space<vmem>> -> memref<1x32xi32, #tpu.memory_space<vmem>>
    %dma_start3A_13 = tpu.memref_squeeze %dma_start3A_12 : memref<1x32xi32, #tpu.memory_space<vmem>> -> memref<32xi32, #tpu.memory_space<vmem>>
    %dma_start3A_14 = arith.constant 0 : i32
    %dma_start3A_15 = arith.constant 0 : i32
    %dma_start3A_16 = tpu.memref_slice %arg22[%dma_start3A_14, %dma_start3A_15] : memref<10000x128xbf16, #tpu.memory_space<vmem_shared>> -> memref<10000x128xbf16, #tpu.memory_space<vmem_shared>>
    tpu.enqueue_indirect_dma source(%dma_start3A_16 : memref<10000x128xbf16, #tpu.memory_space<vmem_shared>>) target(%arg9 : memref<32x128xbf16, #tpu.memory_space<vmem>>) offsets(%dma_start3A_13 : memref<32xi32, #tpu.memory_space<vmem>>) semaphore(%arg13 : memref<!tpu.dma_semaphore, #tpu.memory_space<semaphore_mem>>)
    %dma_start3A_17 = arith.constant 1 : i32
    %dma_start3A_18 = arith.constant 0 : i32
    %dma_start3A_19 = tpu.memref_slice %arg7[%dma_start3A_17, %dma_start3A_18] : memref<320x32xi32, #tpu.memory_space<vmem>> -> memref<1x32xi32, #tpu.memory_space<vmem>>
    %dma_start3A_20 = tpu.memref_squeeze %dma_start3A_19 : memref<1x32xi32, #tpu.memory_space<vmem>> -> memref<32xi32, #tpu.memory_space<vmem>>
    %dma_start3A_21 = arith.constant 0 : i32
    %dma_start3A_22 = arith.constant 0 : i32
    %dma_start3A_23 = tpu.memref_slice %arg22[%dma_start3A_21, %dma_start3A_22] : memref<10000x128xbf16, #tpu.memory_space<vmem_shared>> -> memref<10000x128xbf16, #tpu.memory_space<vmem_shared>>
    tpu.enqueue_indirect_dma source(%dma_start3A_23 : memref<10000x128xbf16, #tpu.memory_space<vmem_shared>>) target(%arg10 : memref<32x128xbf16, #tpu.memory_space<vmem>>) offsets(%dma_start3A_20 : memref<32xi32, #tpu.memory_space<vmem>>) semaphore(%arg14 : memref<!tpu.dma_semaphore, #tpu.memory_space<semaphore_mem>>)
    %dma_start3A_24 = arith.constant 2 : i32
    %dma_start3A_25 = arith.constant 0 : i32
    %dma_start3A_26 = tpu.memref_slice %arg7[%dma_start3A_24, %dma_start3A_25] : memref<320x32xi32, #tpu.memory_space<vmem>> -> memref<1x32xi32, #tpu.memory_space<vmem>>
    %dma_start3A_27 = tpu.memref_squeeze %dma_start3A_26 : memref<1x32xi32, #tpu.memory_space<vmem>> -> memref<32xi32, #tpu.memory_space<vmem>>
    %dma_start3A_28 = arith.constant 0 : i32
    %dma_start3A_29 = arith.constant 0 : i32
    %dma_start3A_30 = tpu.memref_slice %arg22[%dma_start3A_28, %dma_start3A_29] : memref<10000x128xbf16, #tpu.memory_space<vmem_shared>> -> memref<10000x128xbf16, #tpu.memory_space<vmem_shared>>
    tpu.enqueue_indirect_dma source(%dma_start3A_30 : memref<10000x128xbf16, #tpu.memory_space<vmem_shared>>) target(%arg11 : memref<32x128xbf16, #tpu.memory_space<vmem>>) offsets(%dma_start3A_27 : memref<32xi32, #tpu.memory_space<vmem>>) semaphore(%arg15 : memref<!tpu.dma_semaphore, #tpu.memory_space<semaphore_mem>>)
    %scan3A = arith.constant 0 : i32
    %scan3A_31 = arith.constant 0 : i32
    %scan3A_32 = arith.constant 80 : i32
    %scan3A_33 = arith.addi %scan3A_31, %scan3A_32 : i32
    %scan3A_34 = arith.constant 1 : i32
    scf.for %scan3A_68 = %scan3A_31 to %scan3A_33 step %scan3A_34  : i32 {
      %mul3A_69 = arith.constant 4 : i32
      %mul3A_70 = arith.muli %scan3A_68, %mul3A_69 : i32
      %add3A_71 = arith.constant 0 : i32
      %add3A_72 = arith.addi %mul3A_70, %add3A_71 : i32
      %add3A_73 = arith.constant 4 : i32
      %add3A_74 = arith.addi %add3A_72, %add3A_73 : i32
      %sub3A = arith.constant 1 : i32
      %sub3A_75 = arith.subi %add3A_74, %sub3A : i32
      %lt3A = arith.constant 320 : i32
      %lt3A_76 = arith.cmpi slt, %sub3A_75, %lt3A : i32
      %convert_element_type3A = arith.extui %lt3A_76 : i1 to i32
      %cond3A = arith.constant 0 : i32
      %cond3A_77 = arith.cmpi ne, %convert_element_type3A, %cond3A : i32
      scf.if %cond3A_77 {
        %gt3A = arith.constant 0 : i32
        %gt3A_159 = arith.cmpi sgt, %add3A_72, %gt3A : i32
        %convert_element_type3A_160 = arith.extui %gt3A_159 : i1 to i32
        %cond3A_161 = arith.constant 0 : i32
        %cond3A_162 = arith.cmpi ne, %convert_element_type3A_160, %cond3A_161 : i32
        scf.if %cond3A_162 {
          %sub3A_173 = arith.constant 1 : i32
          %sub3A_174 = arith.subi %add3A_72, %sub3A_173 : i32
          %dma_wait3A_175 = arith.constant 0 : i32
          %dma_wait3A_176 = tpu.memref_slice %arg8[%sub3A_174, %dma_wait3A_175] : memref<320x32xi32, #tpu.memory_space<vmem>> -> memref<1x32xi32, #tpu.memory_space<vmem>>
          %dma_wait3A_177 = tpu.memref_squeeze %dma_wait3A_176 : memref<1x32xi32, #tpu.memory_space<vmem>> -> memref<32xi32, #tpu.memory_space<vmem>>
          %dma_wait3A_178 = arith.constant 0 : i32
          %dma_wait3A_179 = arith.constant 0 : i32
          %dma_wait3A_180 = tpu.memref_slice %arg21[%dma_wait3A_178, %dma_wait3A_179] : memref<10016x128xbf16, #tpu.memory_space<vmem_shared>> -> memref<10016x128xbf16, #tpu.memory_space<vmem_shared>>
          tpu.wait_indirect_dma semaphore(%arg20 : memref<!tpu.dma_semaphore, #tpu.memory_space<semaphore_mem>>) src(%arg12 : memref<32x128xbf16, #tpu.memory_space<vmem>>) dst(%dma_wait3A_180 : memref<10016x128xbf16, #tpu.memory_space<vmem_shared>>)
        } else {
        }
        %add3A_163 = arith.constant 4 : i32
        %add3A_164 = arith.addi %add3A_72, %add3A_163 : i32
        %sub3A_165 = arith.constant 1 : i32
        %sub3A_166 = arith.subi %add3A_164, %sub3A_165 : i32
        %dma_start3A_167 = arith.constant 0 : i32
        %dma_start3A_168 = tpu.memref_slice %arg7[%sub3A_166, %dma_start3A_167] : memref<320x32xi32, #tpu.memory_space<vmem>> -> memref<1x32xi32, #tpu.memory_space<vmem>>
        %dma_start3A_169 = tpu.memref_squeeze %dma_start3A_168 : memref<1x32xi32, #tpu.memory_space<vmem>> -> memref<32xi32, #tpu.memory_space<vmem>>
        %dma_start3A_170 = arith.constant 0 : i32
        %dma_start3A_171 = arith.constant 0 : i32
        %dma_start3A_172 = tpu.memref_slice %arg22[%dma_start3A_170, %dma_start3A_171] : memref<10000x128xbf16, #tpu.memory_space<vmem_shared>> -> memref<10000x128xbf16, #tpu.memory_space<vmem_shared>>
        tpu.enqueue_indirect_dma source(%dma_start3A_172 : memref<10000x128xbf16, #tpu.memory_space<vmem_shared>>) target(%arg12 : memref<32x128xbf16, #tpu.memory_space<vmem>>) offsets(%dma_start3A_169 : memref<32xi32, #tpu.memory_space<vmem>>) semaphore(%arg16 : memref<!tpu.dma_semaphore, #tpu.memory_space<semaphore_mem>>)
      } else {
      }
      %dma_wait3A_78 = arith.constant 0 : i32
      %dma_wait3A_79 = tpu.memref_slice %arg7[%add3A_72, %dma_wait3A_78] : memref<320x32xi32, #tpu.memory_space<vmem>> -> memref<1x32xi32, #tpu.memory_space<vmem>>
      %dma_wait3A_80 = tpu.memref_squeeze %dma_wait3A_79 : memref<1x32xi32, #tpu.memory_space<vmem>> -> memref<32xi32, #tpu.memory_space<vmem>>
      %dma_wait3A_81 = arith.constant 0 : i32
      %dma_wait3A_82 = arith.constant 0 : i32
      %dma_wait3A_83 = tpu.memref_slice %arg22[%dma_wait3A_81, %dma_wait3A_82] : memref<10000x128xbf16, #tpu.memory_space<vmem_shared>> -> memref<10000x128xbf16, #tpu.memory_space<vmem_shared>>
      tpu.wait_indirect_dma semaphore(%arg13 : memref<!tpu.dma_semaphore, #tpu.memory_space<semaphore_mem>>) src(%dma_wait3A_83 : memref<10000x128xbf16, #tpu.memory_space<vmem_shared>>) dst(%arg9 : memref<32x128xbf16, #tpu.memory_space<vmem>>)
      %dma_start3A_84 = arith.constant 0 : i32
      %dma_start3A_85 = tpu.memref_slice %arg8[%add3A_72, %dma_start3A_84] : memref<320x32xi32, #tpu.memory_space<vmem>> -> memref<1x32xi32, #tpu.memory_space<vmem>>
      %dma_start3A_86 = tpu.memref_squeeze %dma_start3A_85 : memref<1x32xi32, #tpu.memory_space<vmem>> -> memref<32xi32, #tpu.memory_space<vmem>>
      %dma_start3A_87 = arith.constant 0 : i32
      %dma_start3A_88 = arith.constant 0 : i32
      %dma_start3A_89 = tpu.memref_slice %arg21[%dma_start3A_87, %dma_start3A_88] : memref<10016x128xbf16, #tpu.memory_space<vmem_shared>> -> memref<10016x128xbf16, #tpu.memory_space<vmem_shared>>
      tpu.enqueue_indirect_dma source(%arg9 : memref<32x128xbf16, #tpu.memory_space<vmem>>) target(%dma_start3A_89 : memref<10016x128xbf16, #tpu.memory_space<vmem_shared>>) offsets(%dma_start3A_86 : memref<32xi32, #tpu.memory_space<vmem>>) semaphore(%arg17 : memref<!tpu.dma_semaphore, #tpu.memory_space<semaphore_mem>>) {add = true}
      %add3A_90 = arith.constant 1 : i32
      %add3A_91 = arith.addi %mul3A_70, %add3A_90 : i32
      %add3A_92 = arith.constant 4 : i32
      %add3A_93 = arith.addi %add3A_91, %add3A_92 : i32
      %sub3A_94 = arith.constant 1 : i32
      %sub3A_95 = arith.subi %add3A_93, %sub3A_94 : i32
      %lt3A_96 = arith.constant 320 : i32
      %lt3A_97 = arith.cmpi slt, %sub3A_95, %lt3A_96 : i32
      %convert_element_type3A_98 = arith.extui %lt3A_97 : i1 to i32
      %cond3A_99 = arith.constant 0 : i32
      %cond3A_100 = arith.cmpi ne, %convert_element_type3A_98, %cond3A_99 : i32
      scf.if %cond3A_100 {
        %gt3A = arith.constant 0 : i32
        %gt3A_159 = arith.cmpi sgt, %add3A_91, %gt3A : i32
        %convert_element_type3A_160 = arith.extui %gt3A_159 : i1 to i32
        %cond3A_161 = arith.constant 0 : i32
        %cond3A_162 = arith.cmpi ne, %convert_element_type3A_160, %cond3A_161 : i32
        scf.if %cond3A_162 {
          %sub3A_173 = arith.constant 1 : i32
          %sub3A_174 = arith.subi %add3A_91, %sub3A_173 : i32
          %dma_wait3A_175 = arith.constant 0 : i32
          %dma_wait3A_176 = tpu.memref_slice %arg8[%sub3A_174, %dma_wait3A_175] : memref<320x32xi32, #tpu.memory_space<vmem>> -> memref<1x32xi32, #tpu.memory_space<vmem>>
          %dma_wait3A_177 = tpu.memref_squeeze %dma_wait3A_176 : memref<1x32xi32, #tpu.memory_space<vmem>> -> memref<32xi32, #tpu.memory_space<vmem>>
          %dma_wait3A_178 = arith.constant 0 : i32
          %dma_wait3A_179 = arith.constant 0 : i32
          %dma_wait3A_180 = tpu.memref_slice %arg21[%dma_wait3A_178, %dma_wait3A_179] : memref<10016x128xbf16, #tpu.memory_space<vmem_shared>> -> memref<10016x128xbf16, #tpu.memory_space<vmem_shared>>
          tpu.wait_indirect_dma semaphore(%arg17 : memref<!tpu.dma_semaphore, #tpu.memory_space<semaphore_mem>>) src(%arg9 : memref<32x128xbf16, #tpu.memory_space<vmem>>) dst(%dma_wait3A_180 : memref<10016x128xbf16, #tpu.memory_space<vmem_shared>>)
        } else {
        }
        %add3A_163 = arith.constant 4 : i32
        %add3A_164 = arith.addi %add3A_91, %add3A_163 : i32
        %sub3A_165 = arith.constant 1 : i32
        %sub3A_166 = arith.subi %add3A_164, %sub3A_165 : i32
        %dma_start3A_167 = arith.constant 0 : i32
        %dma_start3A_168 = tpu.memref_slice %arg7[%sub3A_166, %dma_start3A_167] : memref<320x32xi32, #tpu.memory_space<vmem>> -> memref<1x32xi32, #tpu.memory_space<vmem>>
        %dma_start3A_169 = tpu.memref_squeeze %dma_start3A_168 : memref<1x32xi32, #tpu.memory_space<vmem>> -> memref<32xi32, #tpu.memory_space<vmem>>
        %dma_start3A_170 = arith.constant 0 : i32
        %dma_start3A_171 = arith.constant 0 : i32
        %dma_start3A_172 = tpu.memref_slice %arg22[%dma_start3A_170, %dma_start3A_171] : memref<10000x128xbf16, #tpu.memory_space<vmem_shared>> -> memref<10000x128xbf16, #tpu.memory_space<vmem_shared>>
        tpu.enqueue_indirect_dma source(%dma_start3A_172 : memref<10000x128xbf16, #tpu.memory_space<vmem_shared>>) target(%arg9 : memref<32x128xbf16, #tpu.memory_space<vmem>>) offsets(%dma_start3A_169 : memref<32xi32, #tpu.memory_space<vmem>>) semaphore(%arg13 : memref<!tpu.dma_semaphore, #tpu.memory_space<semaphore_mem>>)
      } else {
      }
      %dma_wait3A_101 = arith.constant 0 : i32
      %dma_wait3A_102 = tpu.memref_slice %arg7[%add3A_91, %dma_wait3A_101] : memref<320x32xi32, #tpu.memory_space<vmem>> -> memref<1x32xi32, #tpu.memory_space<vmem>>
      %dma_wait3A_103 = tpu.memref_squeeze %dma_wait3A_102 : memref<1x32xi32, #tpu.memory_space<vmem>> -> memref<32xi32, #tpu.memory_space<vmem>>
      %dma_wait3A_104 = arith.constant 0 : i32
      %dma_wait3A_105 = arith.constant 0 : i32
      %dma_wait3A_106 = tpu.memref_slice %arg22[%dma_wait3A_104, %dma_wait3A_105] : memref<10000x128xbf16, #tpu.memory_space<vmem_shared>> -> memref<10000x128xbf16, #tpu.memory_space<vmem_shared>>
      tpu.wait_indirect_dma semaphore(%arg14 : memref<!tpu.dma_semaphore, #tpu.memory_space<semaphore_mem>>) src(%dma_wait3A_106 : memref<10000x128xbf16, #tpu.memory_space<vmem_shared>>) dst(%arg10 : memref<32x128xbf16, #tpu.memory_space<vmem>>)
      %dma_start3A_107 = arith.constant 0 : i32
      %dma_start3A_108 = tpu.memref_slice %arg8[%add3A_91, %dma_start3A_107] : memref<320x32xi32, #tpu.memory_space<vmem>> -> memref<1x32xi32, #tpu.memory_space<vmem>>
      %dma_start3A_109 = tpu.memref_squeeze %dma_start3A_108 : memref<1x32xi32, #tpu.memory_space<vmem>> -> memref<32xi32, #tpu.memory_space<vmem>>
      %dma_start3A_110 = arith.constant 0 : i32
      %dma_start3A_111 = arith.constant 0 : i32
      %dma_start3A_112 = tpu.memref_slice %arg21[%dma_start3A_110, %dma_start3A_111] : memref<10016x128xbf16, #tpu.memory_space<vmem_shared>> -> memref<10016x128xbf16, #tpu.memory_space<vmem_shared>>
      tpu.enqueue_indirect_dma source(%arg10 : memref<32x128xbf16, #tpu.memory_space<vmem>>) target(%dma_start3A_112 : memref<10016x128xbf16, #tpu.memory_space<vmem_shared>>) offsets(%dma_start3A_109 : memref<32xi32, #tpu.memory_space<vmem>>) semaphore(%arg18 : memref<!tpu.dma_semaphore, #tpu.memory_space<semaphore_mem>>) {add = true}
      %add3A_113 = arith.constant 2 : i32
      %add3A_114 = arith.addi %mul3A_70, %add3A_113 : i32
      %add3A_115 = arith.constant 4 : i32
      %add3A_116 = arith.addi %add3A_114, %add3A_115 : i32
      %sub3A_117 = arith.constant 1 : i32
      %sub3A_118 = arith.subi %add3A_116, %sub3A_117 : i32
      %lt3A_119 = arith.constant 320 : i32
      %lt3A_120 = arith.cmpi slt, %sub3A_118, %lt3A_119 : i32
      %convert_element_type3A_121 = arith.extui %lt3A_120 : i1 to i32
      %cond3A_122 = arith.constant 0 : i32
      %cond3A_123 = arith.cmpi ne, %convert_element_type3A_121, %cond3A_122 : i32
      scf.if %cond3A_123 {
        %gt3A = arith.constant 0 : i32
        %gt3A_159 = arith.cmpi sgt, %add3A_114, %gt3A : i32
        %convert_element_type3A_160 = arith.extui %gt3A_159 : i1 to i32
        %cond3A_161 = arith.constant 0 : i32
        %cond3A_162 = arith.cmpi ne, %convert_element_type3A_160, %cond3A_161 : i32
        scf.if %cond3A_162 {
          %sub3A_173 = arith.constant 1 : i32
          %sub3A_174 = arith.subi %add3A_114, %sub3A_173 : i32
          %dma_wait3A_175 = arith.constant 0 : i32
          %dma_wait3A_176 = tpu.memref_slice %arg8[%sub3A_174, %dma_wait3A_175] : memref<320x32xi32, #tpu.memory_space<vmem>> -> memref<1x32xi32, #tpu.memory_space<vmem>>
          %dma_wait3A_177 = tpu.memref_squeeze %dma_wait3A_176 : memref<1x32xi32, #tpu.memory_space<vmem>> -> memref<32xi32, #tpu.memory_space<vmem>>
          %dma_wait3A_178 = arith.constant 0 : i32
          %dma_wait3A_179 = arith.constant 0 : i32
          %dma_wait3A_180 = tpu.memref_slice %arg21[%dma_wait3A_178, %dma_wait3A_179] : memref<10016x128xbf16, #tpu.memory_space<vmem_shared>> -> memref<10016x128xbf16, #tpu.memory_space<vmem_shared>>
          tpu.wait_indirect_dma semaphore(%arg18 : memref<!tpu.dma_semaphore, #tpu.memory_space<semaphore_mem>>) src(%arg10 : memref<32x128xbf16, #tpu.memory_space<vmem>>) dst(%dma_wait3A_180 : memref<10016x128xbf16, #tpu.memory_space<vmem_shared>>)
        } else {
        }
        %add3A_163 = arith.constant 4 : i32
        %add3A_164 = arith.addi %add3A_114, %add3A_163 : i32
        %sub3A_165 = arith.constant 1 : i32
        %sub3A_166 = arith.subi %add3A_164, %sub3A_165 : i32
        %dma_start3A_167 = arith.constant 0 : i32
        %dma_start3A_168 = tpu.memref_slice %arg7[%sub3A_166, %dma_start3A_167] : memref<320x32xi32, #tpu.memory_space<vmem>> -> memref<1x32xi32, #tpu.memory_space<vmem>>
        %dma_start3A_169 = tpu.memref_squeeze %dma_start3A_168 : memref<1x32xi32, #tpu.memory_space<vmem>> -> memref<32xi32, #tpu.memory_space<vmem>>
        %dma_start3A_170 = arith.constant 0 : i32
        %dma_start3A_171 = arith.constant 0 : i32
        %dma_start3A_172 = tpu.memref_slice %arg22[%dma_start3A_170, %dma_start3A_171] : memref<10000x128xbf16, #tpu.memory_space<vmem_shared>> -> memref<10000x128xbf16, #tpu.memory_space<vmem_shared>>
        tpu.enqueue_indirect_dma source(%dma_start3A_172 : memref<10000x128xbf16, #tpu.memory_space<vmem_shared>>) target(%arg10 : memref<32x128xbf16, #tpu.memory_space<vmem>>) offsets(%dma_start3A_169 : memref<32xi32, #tpu.memory_space<vmem>>) semaphore(%arg14 : memref<!tpu.dma_semaphore, #tpu.memory_space<semaphore_mem>>)
      } else {
      }
      %dma_wait3A_124 = arith.constant 0 : i32
      %dma_wait3A_125 = tpu.memref_slice %arg7[%add3A_114, %dma_wait3A_124] : memref<320x32xi32, #tpu.memory_space<vmem>> -> memref<1x32xi32, #tpu.memory_space<vmem>>
      %dma_wait3A_126 = tpu.memref_squeeze %dma_wait3A_125 : memref<1x32xi32, #tpu.memory_space<vmem>> -> memref<32xi32, #tpu.memory_space<vmem>>
      %dma_wait3A_127 = arith.constant 0 : i32
      %dma_wait3A_128 = arith.constant 0 : i32
      %dma_wait3A_129 = tpu.memref_slice %arg22[%dma_wait3A_127, %dma_wait3A_128] : memref<10000x128xbf16, #tpu.memory_space<vmem_shared>> -> memref<10000x128xbf16, #tpu.memory_space<vmem_shared>>
      tpu.wait_indirect_dma semaphore(%arg15 : memref<!tpu.dma_semaphore, #tpu.memory_space<semaphore_mem>>) src(%dma_wait3A_129 : memref<10000x128xbf16, #tpu.memory_space<vmem_shared>>) dst(%arg11 : memref<32x128xbf16, #tpu.memory_space<vmem>>)
      %dma_start3A_130 = arith.constant 0 : i32
      %dma_start3A_131 = tpu.memref_slice %arg8[%add3A_114, %dma_start3A_130] : memref<320x32xi32, #tpu.memory_space<vmem>> -> memref<1x32xi32, #tpu.memory_space<vmem>>
      %dma_start3A_132 = tpu.memref_squeeze %dma_start3A_131 : memref<1x32xi32, #tpu.memory_space<vmem>> -> memref<32xi32, #tpu.memory_space<vmem>>
      %dma_start3A_133 = arith.constant 0 : i32
      %dma_start3A_134 = arith.constant 0 : i32
      %dma_start3A_135 = tpu.memref_slice %arg21[%dma_start3A_133, %dma_start3A_134] : memref<10016x128xbf16, #tpu.memory_space<vmem_shared>> -> memref<10016x128xbf16, #tpu.memory_space<vmem_shared>>
      tpu.enqueue_indirect_dma source(%arg11 : memref<32x128xbf16, #tpu.memory_space<vmem>>) target(%dma_start3A_135 : memref<10016x128xbf16, #tpu.memory_space<vmem_shared>>) offsets(%dma_start3A_132 : memref<32xi32, #tpu.memory_space<vmem>>) semaphore(%arg19 : memref<!tpu.dma_semaphore, #tpu.memory_space<semaphore_mem>>) {add = true}
      %add3A_136 = arith.constant 3 : i32
      %add3A_137 = arith.addi %mul3A_70, %add3A_136 : i32
      %add3A_138 = arith.constant 4 : i32
      %add3A_139 = arith.addi %add3A_137, %add3A_138 : i32
      %sub3A_140 = arith.constant 1 : i32
      %sub3A_141 = arith.subi %add3A_139, %sub3A_140 : i32
      %lt3A_142 = arith.constant 320 : i32
      %lt3A_143 = arith.cmpi slt, %sub3A_141, %lt3A_142 : i32
      %convert_element_type3A_144 = arith.extui %lt3A_143 : i1 to i32
      %cond3A_145 = arith.constant 0 : i32
      %cond3A_146 = arith.cmpi ne, %convert_element_type3A_144, %cond3A_145 : i32
      scf.if %cond3A_146 {
        %gt3A = arith.constant 0 : i32
        %gt3A_159 = arith.cmpi sgt, %add3A_137, %gt3A : i32
        %convert_element_type3A_160 = arith.extui %gt3A_159 : i1 to i32
        %cond3A_161 = arith.constant 0 : i32
        %cond3A_162 = arith.cmpi ne, %convert_element_type3A_160, %cond3A_161 : i32
        scf.if %cond3A_162 {
          %sub3A_173 = arith.constant 1 : i32
          %sub3A_174 = arith.subi %add3A_137, %sub3A_173 : i32
          %dma_wait3A_175 = arith.constant 0 : i32
          %dma_wait3A_176 = tpu.memref_slice %arg8[%sub3A_174, %dma_wait3A_175] : memref<320x32xi32, #tpu.memory_space<vmem>> -> memref<1x32xi32, #tpu.memory_space<vmem>>
          %dma_wait3A_177 = tpu.memref_squeeze %dma_wait3A_176 : memref<1x32xi32, #tpu.memory_space<vmem>> -> memref<32xi32, #tpu.memory_space<vmem>>
          %dma_wait3A_178 = arith.constant 0 : i32
          %dma_wait3A_179 = arith.constant 0 : i32
          %dma_wait3A_180 = tpu.memref_slice %arg21[%dma_wait3A_178, %dma_wait3A_179] : memref<10016x128xbf16, #tpu.memory_space<vmem_shared>> -> memref<10016x128xbf16, #tpu.memory_space<vmem_shared>>
          tpu.wait_indirect_dma semaphore(%arg19 : memref<!tpu.dma_semaphore, #tpu.memory_space<semaphore_mem>>) src(%arg11 : memref<32x128xbf16, #tpu.memory_space<vmem>>) dst(%dma_wait3A_180 : memref<10016x128xbf16, #tpu.memory_space<vmem_shared>>)
        } else {
        }
        %add3A_163 = arith.constant 4 : i32
        %add3A_164 = arith.addi %add3A_137, %add3A_163 : i32
        %sub3A_165 = arith.constant 1 : i32
        %sub3A_166 = arith.subi %add3A_164, %sub3A_165 : i32
        %dma_start3A_167 = arith.constant 0 : i32
        %dma_start3A_168 = tpu.memref_slice %arg7[%sub3A_166, %dma_start3A_167] : memref<320x32xi32, #tpu.memory_space<vmem>> -> memref<1x32xi32, #tpu.memory_space<vmem>>
        %dma_start3A_169 = tpu.memref_squeeze %dma_start3A_168 : memref<1x32xi32, #tpu.memory_space<vmem>> -> memref<32xi32, #tpu.memory_space<vmem>>
        %dma_start3A_170 = arith.constant 0 : i32
        %dma_start3A_171 = arith.constant 0 : i32
        %dma_start3A_172 = tpu.memref_slice %arg22[%dma_start3A_170, %dma_start3A_171] : memref<10000x128xbf16, #tpu.memory_space<vmem_shared>> -> memref<10000x128xbf16, #tpu.memory_space<vmem_shared>>
        tpu.enqueue_indirect_dma source(%dma_start3A_172 : memref<10000x128xbf16, #tpu.memory_space<vmem_shared>>) target(%arg11 : memref<32x128xbf16, #tpu.memory_space<vmem>>) offsets(%dma_start3A_169 : memref<32xi32, #tpu.memory_space<vmem>>) semaphore(%arg15 : memref<!tpu.dma_semaphore, #tpu.memory_space<semaphore_mem>>)
      } else {
      }
      %dma_wait3A_147 = arith.constant 0 : i32
      %dma_wait3A_148 = tpu.memref_slice %arg7[%add3A_137, %dma_wait3A_147] : memref<320x32xi32, #tpu.memory_space<vmem>> -> memref<1x32xi32, #tpu.memory_space<vmem>>
      %dma_wait3A_149 = tpu.memref_squeeze %dma_wait3A_148 : memref<1x32xi32, #tpu.memory_space<vmem>> -> memref<32xi32, #tpu.memory_space<vmem>>
      %dma_wait3A_150 = arith.constant 0 : i32
      %dma_wait3A_151 = arith.constant 0 : i32
      %dma_wait3A_152 = tpu.memref_slice %arg22[%dma_wait3A_150, %dma_wait3A_151] : memref<10000x128xbf16, #tpu.memory_space<vmem_shared>> -> memref<10000x128xbf16, #tpu.memory_space<vmem_shared>>
      tpu.wait_indirect_dma semaphore(%arg16 : memref<!tpu.dma_semaphore, #tpu.memory_space<semaphore_mem>>) src(%dma_wait3A_152 : memref<10000x128xbf16, #tpu.memory_space<vmem_shared>>) dst(%arg12 : memref<32x128xbf16, #tpu.memory_space<vmem>>)
      %dma_start3A_153 = arith.constant 0 : i32
      %dma_start3A_154 = tpu.memref_slice %arg8[%add3A_137, %dma_start3A_153] : memref<320x32xi32, #tpu.memory_space<vmem>> -> memref<1x32xi32, #tpu.memory_space<vmem>>
      %dma_start3A_155 = tpu.memref_squeeze %dma_start3A_154 : memref<1x32xi32, #tpu.memory_space<vmem>> -> memref<32xi32, #tpu.memory_space<vmem>>
      %dma_start3A_156 = arith.constant 0 : i32
      %dma_start3A_157 = arith.constant 0 : i32
      %dma_start3A_158 = tpu.memref_slice %arg21[%dma_start3A_156, %dma_start3A_157] : memref<10016x128xbf16, #tpu.memory_space<vmem_shared>> -> memref<10016x128xbf16, #tpu.memory_space<vmem_shared>>
      tpu.enqueue_indirect_dma source(%arg12 : memref<32x128xbf16, #tpu.memory_space<vmem>>) target(%dma_start3A_158 : memref<10016x128xbf16, #tpu.memory_space<vmem_shared>>) offsets(%dma_start3A_155 : memref<32xi32, #tpu.memory_space<vmem>>) semaphore(%arg20 : memref<!tpu.dma_semaphore, #tpu.memory_space<semaphore_mem>>) {add = true}
    }
    %scan3A_35 = arith.constant 80 : i32
    %dma_wait3A = arith.constant 316 : i32
    %dma_wait3A_36 = arith.constant 0 : i32
    %dma_wait3A_37 = tpu.memref_slice %arg8[%dma_wait3A, %dma_wait3A_36] : memref<320x32xi32, #tpu.memory_space<vmem>> -> memref<1x32xi32, #tpu.memory_space<vmem>>
    %dma_wait3A_38 = tpu.memref_squeeze %dma_wait3A_37 : memref<1x32xi32, #tpu.memory_space<vmem>> -> memref<32xi32, #tpu.memory_space<vmem>>
    %dma_wait3A_39 = arith.constant 0 : i32
    %dma_wait3A_40 = arith.constant 0 : i32
    %dma_wait3A_41 = tpu.memref_slice %arg21[%dma_wait3A_39, %dma_wait3A_40] : memref<10016x128xbf16, #tpu.memory_space<vmem_shared>> -> memref<10016x128xbf16, #tpu.memory_space<vmem_shared>>
    tpu.wait_indirect_dma semaphore(%arg17 : memref<!tpu.dma_semaphore, #tpu.memory_space<semaphore_mem>>) src(%arg9 : memref<32x128xbf16, #tpu.memory_space<vmem>>) dst(%dma_wait3A_41 : memref<10016x128xbf16, #tpu.memory_space<vmem_shared>>)
    %dma_wait3A_42 = arith.constant 317 : i32
    %dma_wait3A_43 = arith.constant 0 : i32
    %dma_wait3A_44 = tpu.memref_slice %arg8[%dma_wait3A_42, %dma_wait3A_43] : memref<320x32xi32, #tpu.memory_space<vmem>> -> memref<1x32xi32, #tpu.memory_space<vmem>>
    %dma_wait3A_45 = tpu.memref_squeeze %dma_wait3A_44 : memref<1x32xi32, #tpu.memory_space<vmem>> -> memref<32xi32, #tpu.memory_space<vmem>>
    %dma_wait3A_46 = arith.constant 0 : i32
    %dma_wait3A_47 = arith.constant 0 : i32
    %dma_wait3A_48 = tpu.memref_slice %arg21[%dma_wait3A_46, %dma_wait3A_47] : memref<10016x128xbf16, #tpu.memory_space<vmem_shared>> -> memref<10016x128xbf16, #tpu.memory_space<vmem_shared>>
    tpu.wait_indirect_dma semaphore(%arg18 : memref<!tpu.dma_semaphore, #tpu.memory_space<semaphore_mem>>) src(%arg10 : memref<32x128xbf16, #tpu.memory_space<vmem>>) dst(%dma_wait3A_48 : memref<10016x128xbf16, #tpu.memory_space<vmem_shared>>)
    %dma_wait3A_49 = arith.constant 318 : i32
    %dma_wait3A_50 = arith.constant 0 : i32
    %dma_wait3A_51 = tpu.memref_slice %arg8[%dma_wait3A_49, %dma_wait3A_50] : memref<320x32xi32, #tpu.memory_space<vmem>> -> memref<1x32xi32, #tpu.memory_space<vmem>>
    %dma_wait3A_52 = tpu.memref_squeeze %dma_wait3A_51 : memref<1x32xi32, #tpu.memory_space<vmem>> -> memref<32xi32, #tpu.memory_space<vmem>>
    %dma_wait3A_53 = arith.constant 0 : i32
    %dma_wait3A_54 = arith.constant 0 : i32
    %dma_wait3A_55 = tpu.memref_slice %arg21[%dma_wait3A_53, %dma_wait3A_54] : memref<10016x128xbf16, #tpu.memory_space<vmem_shared>> -> memref<10016x128xbf16, #tpu.memory_space<vmem_shared>>
    tpu.wait_indirect_dma semaphore(%arg19 : memref<!tpu.dma_semaphore, #tpu.memory_space<semaphore_mem>>) src(%arg11 : memref<32x128xbf16, #tpu.memory_space<vmem>>) dst(%dma_wait3A_55 : memref<10016x128xbf16, #tpu.memory_space<vmem_shared>>)
    %dma_wait3A_56 = arith.constant 319 : i32
    %dma_wait3A_57 = arith.constant 0 : i32
    %dma_wait3A_58 = tpu.memref_slice %arg8[%dma_wait3A_56, %dma_wait3A_57] : memref<320x32xi32, #tpu.memory_space<vmem>> -> memref<1x32xi32, #tpu.memory_space<vmem>>
    %dma_wait3A_59 = tpu.memref_squeeze %dma_wait3A_58 : memref<1x32xi32, #tpu.memory_space<vmem>> -> memref<32xi32, #tpu.memory_space<vmem>>
    %dma_wait3A_60 = arith.constant 0 : i32
    %dma_wait3A_61 = arith.constant 0 : i32
    %dma_wait3A_62 = tpu.memref_slice %arg21[%dma_wait3A_60, %dma_wait3A_61] : memref<10016x128xbf16, #tpu.memory_space<vmem_shared>> -> memref<10016x128xbf16, #tpu.memory_space<vmem_shared>>
    tpu.wait_indirect_dma semaphore(%arg20 : memref<!tpu.dma_semaphore, #tpu.memory_space<semaphore_mem>>) src(%arg12 : memref<32x128xbf16, #tpu.memory_space<vmem>>) dst(%dma_wait3A_62 : memref<10016x128xbf16, #tpu.memory_space<vmem_shared>>)
    %barrier3A_63 = arith.constant 0 : index
    tpu.barrier barrier_id(%barrier3A_63)
    %mul3A_64 = arith.constant 626 : i32
    %mul3A_65 = arith.muli %arg1, %mul3A_64 : i32
    %mul3A_66 = arith.constant 626 : i32
    %mul3A_67 = arith.muli %arg1, %mul3A_66 : i32
    "tpu.region"() ({
      %run_scoped3A = tpu.sem_alloc : memref<!tpu.dma_semaphore, #tpu.memory_space<semaphore_mem>>
      %dma_start3A_68 = arith.constant 0 : i32
      %dma_start3A_69 = tpu.memref_slice %arg6[%arg0, %mul3A_67, %dma_start3A_68] : memref<2x10016x128xbf16, #tpu.memory_space<hbm>> -> memref<1x626x128xbf16, #tpu.memory_space<hbm>>
      %dma_start3A_70 = tpu.memref_squeeze %dma_start3A_69 : memref<1x626x128xbf16, #tpu.memory_space<hbm>> -> memref<626x128xbf16, #tpu.memory_space<hbm>>
      %dma_start3A_71 = arith.constant 0 : i32
      %dma_start3A_72 = tpu.memref_slice %arg21[%mul3A_65, %dma_start3A_71] : memref<10016x128xbf16, #tpu.memory_space<vmem_shared>> -> memref<626x128xbf16, #tpu.memory_space<vmem_shared>>
      tpu.enqueue_dma source(%dma_start3A_72 : memref<626x128xbf16, #tpu.memory_space<vmem_shared>>) target(%dma_start3A_70 : memref<626x128xbf16, #tpu.memory_space<hbm>>) target_semaphore(%run_scoped3A : memref<!tpu.dma_semaphore, #tpu.memory_space<semaphore_mem>>)
      %dma_wait3A_73 = arith.constant 0 : i32
      %dma_wait3A_74 = tpu.memref_slice %arg6[%arg0, %mul3A_67, %dma_wait3A_73] : memref<2x10016x128xbf16, #tpu.memory_space<hbm>> -> memref<1x626x128xbf16, #tpu.memory_space<hbm>>
      %dma_wait3A_75 = tpu.memref_squeeze %dma_wait3A_74 : memref<1x626x128xbf16, #tpu.memory_space<hbm>> -> memref<626x128xbf16, #tpu.memory_space<hbm>>
      %dma_wait3A_76 = arith.constant 0 : i32
      %dma_wait3A_77 = tpu.memref_slice %arg21[%mul3A_65, %dma_wait3A_76] : memref<10016x128xbf16, #tpu.memory_space<vmem_shared>> -> memref<626x128xbf16, #tpu.memory_space<vmem_shared>>
      tpu.wait_dma2 semaphore(%run_scoped3A : memref<!tpu.dma_semaphore, #tpu.memory_space<semaphore_mem>>) src(%dma_wait3A_77 : memref<626x128xbf16, #tpu.memory_space<vmem_shared>>) dst(%dma_wait3A_75 : memref<626x128xbf16, #tpu.memory_space<hbm>>)
      tpu.yield
    }) : () -> ()
    return
  }
}

module attributes {stable_mosaic.version = 14 : i64} {
  func.func @_tc1_body(%arg0: i32, %arg1: memref<2000x128xf32, #tpu.memory_space<vmem>>, %arg2: memref<128x160xf32, #tpu.memory_space<vmem>>, %arg3: memref<1x160xf32, #tpu.memory_space<vmem>>, %arg4: memref<128x128xf32, #tpu.memory_space<vmem>>, %arg5: memref<2000x160xbf16, #tpu.memory_space<vmem>>, %arg6: memref<2000x128xf32, #tpu.memory_space<vmem>>) attributes {dimension_semantics = [#tpu.dimension_semantics<arbitrary>], iteration_bounds = array<i64: 5>, scalar_prefetch = 0 : i64, scratch_operands = 0 : i64, tpu.core_type = #tpu.core_type<tc>, window_params = [{transform_indices = @transform_0, window_bounds = array<i64: 2000, 128>}, {pipeline_mode = #tpu.pipeline_mode<synchronous>, transform_indices = @transform_1, window_bounds = array<i64: 128, 160>}, {pipeline_mode = #tpu.pipeline_mode<synchronous>, transform_indices = @transform_2, window_bounds = array<i64: 1, 160>}, {pipeline_mode = #tpu.pipeline_mode<synchronous>, transform_indices = @transform_3, window_bounds = array<i64: 128, 128>}, {transform_indices = @transform_4, window_bounds = array<i64: 2000, 160>}, {transform_indices = @transform_5, window_bounds = array<i64: 2000, 128>}]} {
    %get3A = arith.constant 0 : index
    %get3A_0 = arith.constant 0 : index
    %get3A_1 = vector.load %arg1[%get3A, %get3A_0] : memref<2000x128xf32, #tpu.memory_space<vmem>>, vector<2000x128xf32>
    %convert_element_type3A = arith.truncf %get3A_1 : vector<2000x128xf32> to vector<2000x128xbf16>
    %get3A_2 = arith.constant 0 : index
    %get3A_3 = arith.constant 0 : index
    %get3A_4 = vector.load %arg2[%get3A_2, %get3A_3] : memref<128x160xf32, #tpu.memory_space<vmem>>, vector<128x160xf32>
    %convert_element_type3A_5 = arith.truncf %get3A_4 : vector<128x160xf32> to vector<128x160xbf16>
    %dot_general3A = arith.constant dense<0.000000e+00> : vector<2000x160xf32>
    %dot_general3A_6 = tpu.matmul %convert_element_type3A, %convert_element_type3A_5, %dot_general3A {dimension_numbers = #tpu.dot_dimension_numbers<[1], [0], [0], [1], [0, 0, 1, 1], [], []>, transpose_lhs_hint = false} : vector<2000x128xbf16>, vector<128x160xbf16>, vector<2000x160xf32> -> vector<2000x160xf32>
    %get3A_7 = arith.constant 0 : index
    %get3A_8 = arith.constant 0 : index
    %get3A_9 = vector.load %arg3[%get3A_7, %get3A_8] : memref<1x160xf32, #tpu.memory_space<vmem>>, vector<1x160xf32>
    %add3A = vector.broadcast %get3A_9 : vector<1x160xf32> to vector<2000x160xf32>
    %add3A_10 = arith.addf %dot_general3A_6, %add3A : vector<2000x160xf32>
    %convert_element_type3A_11 = arith.truncf %add3A_10 : vector<2000x160xf32> to vector<2000x160xbf16>
    %swap3A = arith.constant 0 : index
    %swap3A_12 = arith.constant 0 : index
    %swap3A_13 = vector.load %arg5[%swap3A, %swap3A_12] : memref<2000x160xbf16, #tpu.memory_space<vmem>>, vector<2000x160xbf16>
    tpu.vector_store %arg5[%swap3A, %swap3A_12], %convert_element_type3A_11 {strides = array<i32>} : memref<2000x160xbf16, #tpu.memory_space<vmem>>, vector<2000x160xbf16>,
    %get3A_14 = arith.constant 0 : index
    %get3A_15 = arith.constant 0 : index
    %get3A_16 = vector.load %arg4[%get3A_14, %get3A_15] : memref<128x128xf32, #tpu.memory_space<vmem>>, vector<128x128xf32>
    %dot_general3A_17 = arith.constant dense<0.000000e+00> : vector<2000x128xf32>
    %dot_general3A_18 = tpu.matmul %get3A_1, %get3A_16, %dot_general3A_17 {dimension_numbers = #tpu.dot_dimension_numbers<[1], [0], [0], [1], [0, 0, 1, 1], [], []>, precision = #tpu.contract_precision<fp32>, transpose_lhs_hint = false} : vector<2000x128xf32>, vector<128x128xf32>, vector<2000x128xf32> -> vector<2000x128xf32>
    %swap3A_19 = arith.constant 0 : index
    %swap3A_20 = arith.constant 0 : index
    %swap3A_21 = vector.load %arg6[%swap3A_19, %swap3A_20] : memref<2000x128xf32, #tpu.memory_space<vmem>>, vector<2000x128xf32>
    tpu.vector_store %arg6[%swap3A_19, %swap3A_20], %dot_general3A_18 {strides = array<i32>} : memref<2000x128xf32, #tpu.memory_space<vmem>>, vector<2000x128xf32>,
    return
  }
  func.func @transform_0(%arg0: i32) -> (i32, i32) {
    %c0_i32 = arith.constant 0 : i32
    %c0_i32_0 = arith.constant 0 : i32
    return %arg0, %c0_i32 : i32, i32
  }
  func.func @transform_1(%arg0: i32) -> (i32, i32) {
    %c0_i32 = arith.constant 0 : i32
    %c0_i32_0 = arith.constant 0 : i32
    %c0_i32_1 = arith.constant 0 : i32
    return %c0_i32, %c0_i32_0 : i32, i32
  }
  func.func @transform_2(%arg0: i32) -> (i32, i32) {
    %c0_i32 = arith.constant 0 : i32
    %c0_i32_0 = arith.constant 0 : i32
    %c0_i32_1 = arith.constant 0 : i32
    return %c0_i32, %c0_i32_0 : i32, i32
  }
  func.func @transform_3(%arg0: i32) -> (i32, i32) {
    %c0_i32 = arith.constant 0 : i32
    %c0_i32_0 = arith.constant 0 : i32
    %c0_i32_1 = arith.constant 0 : i32
    return %c0_i32, %c0_i32_0 : i32, i32
  }
  func.func @transform_4(%arg0: i32) -> (i32, i32) {
    %c0_i32 = arith.constant 0 : i32
    %c0_i32_0 = arith.constant 0 : i32
    return %arg0, %c0_i32 : i32, i32
  }
  func.func @transform_5(%arg0: i32) -> (i32, i32) {
    %c0_i32 = arith.constant 0 : i32
    %c0_i32_0 = arith.constant 0 : i32
    return %arg0, %c0_i32 : i32, i32
  }
}

module attributes {stable_mosaic.version = 14 : i64} {
  func.func @_tc2_body(%arg0: i32, %arg1: memref<2x2000x160xbf16, #tpu.memory_space<vmem>>, %arg2: memref<2000x128xf32, #tpu.memory_space<vmem>>, %arg3: memref<128x128xf32, #tpu.memory_space<vmem>>, %arg4: memref<128x128xf32, #tpu.memory_space<vmem>>, %arg5: memref<1x128xf32, #tpu.memory_space<vmem>>, %arg6: memref<2000x128xbf16, #tpu.memory_space<vmem>>, %arg7: memref<2000x128xf32, #tpu.memory_space<vmem>>, %arg8: memref<2000x128xf32, #tpu.memory_space<vmem>>) attributes {dimension_semantics = [#tpu.dimension_semantics<arbitrary>], iteration_bounds = array<i64: 5>, scalar_prefetch = 0 : i64, scratch_operands = 0 : i64, tpu.core_type = #tpu.core_type<tc>, window_params = [{transform_indices = @transform_0, window_bounds = array<i64: 2, 2000, 160>}, {transform_indices = @transform_1, window_bounds = array<i64: 2000, 128>}, {pipeline_mode = #tpu.pipeline_mode<synchronous>, transform_indices = @transform_2, window_bounds = array<i64: 128, 128>}, {pipeline_mode = #tpu.pipeline_mode<synchronous>, transform_indices = @transform_3, window_bounds = array<i64: 128, 128>}, {pipeline_mode = #tpu.pipeline_mode<synchronous>, transform_indices = @transform_4, window_bounds = array<i64: 1, 128>}, {transform_indices = @transform_5, window_bounds = array<i64: 2000, 128>}, {transform_indices = @transform_6, window_bounds = array<i64: 2000, 128>}, {transform_indices = @transform_7, window_bounds = array<i64: 2000, 128>}]} {
    %get3A = arith.constant 0 : index
    %get3A_0 = arith.constant 0 : index
    %get3A_1 = arith.constant 0 : index
    %get3A_2 = vector.load %arg1[%get3A, %get3A_0, %get3A_1] : memref<2x2000x160xbf16, #tpu.memory_space<vmem>>, vector<1x2000x160xbf16>
    %get3A_3 = vector.shape_cast %get3A_2 : vector<1x2000x160xbf16> to vector<2000x160xbf16>
    %convert_element_type3A = arith.extf %get3A_3 : vector<2000x160xbf16> to vector<2000x160xf32>
    %get3A_4 = arith.constant 1 : index
    %get3A_5 = arith.constant 0 : index
    %get3A_6 = arith.constant 0 : index
    %get3A_7 = vector.load %arg1[%get3A_4, %get3A_5, %get3A_6] : memref<2x2000x160xbf16, #tpu.memory_space<vmem>>, vector<1x2000x160xbf16>
    %get3A_8 = vector.shape_cast %get3A_7 : vector<1x2000x160xbf16> to vector<2000x160xbf16>
    %convert_element_type3A_9 = arith.extf %get3A_8 : vector<2000x160xbf16> to vector<2000x160xf32>
    %add3A = arith.addf %convert_element_type3A, %convert_element_type3A_9 : vector<2000x160xf32>
    %slice3A = vector.extract_strided_slice %add3A {offsets = [0, 128], sizes = [2000, 1], strides = [1, 1]} : vector<2000x160xf32> to vector<2000x1xf32>
    %slice3A_10 = vector.extract_strided_slice %add3A {offsets = [0, 0], sizes = [2000, 128], strides = [1, 1]} : vector<2000x160xf32> to vector<2000x128xf32>
    %max3A = arith.constant 1.000000e+00 : f32
    %max3A_11 = vector.broadcast %max3A : f32 to vector<2000x1xf32>
    %max3A_12 = arith.maximumf %slice3A, %max3A_11 : vector<2000x1xf32>
    %div3A = vector.broadcast %max3A_12 : vector<2000x1xf32> to vector<2000x128xf32>
    %div3A_13 = arith.divf %slice3A_10, %div3A : vector<2000x128xf32>
    %get3A_14 = arith.constant 0 : index
    %get3A_15 = arith.constant 0 : index
    %get3A_16 = vector.load %arg2[%get3A_14, %get3A_15] : memref<2000x128xf32, #tpu.memory_space<vmem>>, vector<2000x128xf32>
    %add3A_17 = arith.addf %div3A_13, %get3A_16 : vector<2000x128xf32>
    %get3A_18 = arith.constant 0 : index
    %get3A_19 = arith.constant 0 : index
    %get3A_20 = vector.load %arg5[%get3A_18, %get3A_19] : memref<1x128xf32, #tpu.memory_space<vmem>>, vector<1x128xf32>
    %add3A_21 = vector.broadcast %get3A_20 : vector<1x128xf32> to vector<2000x128xf32>
    %add3A_22 = arith.addf %add3A_17, %add3A_21 : vector<2000x128xf32>
    %max3A_23 = arith.constant 0.000000e+00 : f32
    %max3A_24 = vector.broadcast %max3A_23 : f32 to vector<2000x128xf32>
    %max3A_25 = arith.maximumf %add3A_22, %max3A_24 : vector<2000x128xf32>
    %convert_element_type3A_26 = arith.truncf %max3A_25 : vector<2000x128xf32> to vector<2000x128xbf16>
    %get3A_27 = arith.constant 0 : index
    %get3A_28 = arith.constant 0 : index
    %get3A_29 = vector.load %arg3[%get3A_27, %get3A_28] : memref<128x128xf32, #tpu.memory_space<vmem>>, vector<128x128xf32>
    %convert_element_type3A_30 = arith.truncf %get3A_29 : vector<128x128xf32> to vector<128x128xbf16>
    %dot_general3A = arith.constant dense<0.000000e+00> : vector<2000x128xf32>
    %dot_general3A_31 = tpu.matmul %convert_element_type3A_26, %convert_element_type3A_30, %dot_general3A {dimension_numbers = #tpu.dot_dimension_numbers<[1], [0], [0], [1], [0, 0, 1, 1], [], []>, transpose_lhs_hint = false} : vector<2000x128xbf16>, vector<128x128xbf16>, vector<2000x128xf32> -> vector<2000x128xf32>
    %convert_element_type3A_32 = arith.truncf %dot_general3A_31 : vector<2000x128xf32> to vector<2000x128xbf16>
    %swap3A = arith.constant 0 : index
    %swap3A_33 = arith.constant 0 : index
    %swap3A_34 = vector.load %arg6[%swap3A, %swap3A_33] : memref<2000x128xbf16, #tpu.memory_space<vmem>>, vector<2000x128xbf16>
    tpu.vector_store %arg6[%swap3A, %swap3A_33], %convert_element_type3A_32 {strides = array<i32>} : memref<2000x128xbf16, #tpu.memory_space<vmem>>, vector<2000x128xbf16>,
    %get3A_35 = arith.constant 0 : index
    %get3A_36 = arith.constant 0 : index
    %get3A_37 = vector.load %arg4[%get3A_35, %get3A_36] : memref<128x128xf32, #tpu.memory_space<vmem>>, vector<128x128xf32>
    %dot_general3A_38 = arith.constant dense<0.000000e+00> : vector<2000x128xf32>
    %dot_general3A_39 = tpu.matmul %max3A_25, %get3A_37, %dot_general3A_38 {dimension_numbers = #tpu.dot_dimension_numbers<[1], [0], [0], [1], [0, 0, 1, 1], [], []>, precision = #tpu.contract_precision<fp32>, transpose_lhs_hint = false} : vector<2000x128xf32>, vector<128x128xf32>, vector<2000x128xf32> -> vector<2000x128xf32>
    %swap3A_40 = arith.constant 0 : index
    %swap3A_41 = arith.constant 0 : index
    %swap3A_42 = vector.load %arg7[%swap3A_40, %swap3A_41] : memref<2000x128xf32, #tpu.memory_space<vmem>>, vector<2000x128xf32>
    tpu.vector_store %arg7[%swap3A_40, %swap3A_41], %dot_general3A_39 {strides = array<i32>} : memref<2000x128xf32, #tpu.memory_space<vmem>>, vector<2000x128xf32>,
    %broadcast_in_dim3A = vector.shape_cast %slice3A : vector<2000x1xf32> to vector<2000x1xf32>
    %broadcast_in_dim3A_43 = vector.broadcast %broadcast_in_dim3A : vector<2000x1xf32> to vector<2000x128xf32>
    %swap3A_44 = arith.constant 0 : index
    %swap3A_45 = arith.constant 0 : index
    %swap3A_46 = vector.load %arg8[%swap3A_44, %swap3A_45] : memref<2000x128xf32, #tpu.memory_space<vmem>>, vector<2000x128xf32>
    tpu.vector_store %arg8[%swap3A_44, %swap3A_45], %broadcast_in_dim3A_43 {strides = array<i32>} : memref<2000x128xf32, #tpu.memory_space<vmem>>, vector<2000x128xf32>,
    return
  }
  func.func @transform_0(%arg0: i32) -> (i32, i32, i32) {
    %c0_i32 = arith.constant 0 : i32
    %c0_i32_0 = arith.constant 0 : i32
    %c0_i32_1 = arith.constant 0 : i32
    return %c0_i32, %arg0, %c0_i32_0 : i32, i32, i32
  }
  func.func @transform_1(%arg0: i32) -> (i32, i32) {
    %c0_i32 = arith.constant 0 : i32
    %c0_i32_0 = arith.constant 0 : i32
    return %arg0, %c0_i32 : i32, i32
  }
  func.func @transform_2(%arg0: i32) -> (i32, i32) {
    %c0_i32 = arith.constant 0 : i32
    %c0_i32_0 = arith.constant 0 : i32
    %c0_i32_1 = arith.constant 0 : i32
    return %c0_i32, %c0_i32_0 : i32, i32
  }
  func.func @transform_3(%arg0: i32) -> (i32, i32) {
    %c0_i32 = arith.constant 0 : i32
    %c0_i32_0 = arith.constant 0 : i32
    %c0_i32_1 = arith.constant 0 : i32
    return %c0_i32, %c0_i32_0 : i32, i32
  }
  func.func @transform_4(%arg0: i32) -> (i32, i32) {
    %c0_i32 = arith.constant 0 : i32
    %c0_i32_0 = arith.constant 0 : i32
    %c0_i32_1 = arith.constant 0 : i32
    return %c0_i32, %c0_i32_0 : i32, i32
  }
  func.func @transform_5(%arg0: i32) -> (i32, i32) {
    %c0_i32 = arith.constant 0 : i32
    %c0_i32_0 = arith.constant 0 : i32
    return %arg0, %c0_i32 : i32, i32
  }
  func.func @transform_6(%arg0: i32) -> (i32, i32) {
    %c0_i32 = arith.constant 0 : i32
    %c0_i32_0 = arith.constant 0 : i32
    return %arg0, %c0_i32 : i32, i32
  }
  func.func @transform_7(%arg0: i32) -> (i32, i32) {
    %c0_i32 = arith.constant 0 : i32
    %c0_i32_0 = arith.constant 0 : i32
    return %arg0, %c0_i32 : i32, i32
  }
}

module attributes {stable_mosaic.version = 14 : i64} {
  func.func @_tc3_body(%arg0: i32, %arg1: memref<2x2000x128xbf16, #tpu.memory_space<vmem>>, %arg2: memref<2000x128xf32, #tpu.memory_space<vmem>>, %arg3: memref<2000x128xf32, #tpu.memory_space<vmem>>, %arg4: memref<1x128xf32, #tpu.memory_space<vmem>>, %arg5: memref<2000x128xf32, #tpu.memory_space<vmem>>) attributes {dimension_semantics = [#tpu.dimension_semantics<arbitrary>], iteration_bounds = array<i64: 5>, scalar_prefetch = 0 : i64, scratch_operands = 0 : i64, tpu.core_type = #tpu.core_type<tc>, window_params = [{transform_indices = @transform_0, window_bounds = array<i64: 2, 2000, 128>}, {transform_indices = @transform_1, window_bounds = array<i64: 2000, 128>}, {transform_indices = @transform_2, window_bounds = array<i64: 2000, 128>}, {pipeline_mode = #tpu.pipeline_mode<synchronous>, transform_indices = @transform_3, window_bounds = array<i64: 1, 128>}, {transform_indices = @transform_4, window_bounds = array<i64: 2000, 128>}]} {
    %get3A = arith.constant 0 : index
    %get3A_0 = arith.constant 0 : index
    %get3A_1 = arith.constant 0 : index
    %get3A_2 = vector.load %arg1[%get3A, %get3A_0, %get3A_1] : memref<2x2000x128xbf16, #tpu.memory_space<vmem>>, vector<1x2000x128xbf16>
    %get3A_3 = vector.shape_cast %get3A_2 : vector<1x2000x128xbf16> to vector<2000x128xbf16>
    %convert_element_type3A = arith.extf %get3A_3 : vector<2000x128xbf16> to vector<2000x128xf32>
    %get3A_4 = arith.constant 1 : index
    %get3A_5 = arith.constant 0 : index
    %get3A_6 = arith.constant 0 : index
    %get3A_7 = vector.load %arg1[%get3A_4, %get3A_5, %get3A_6] : memref<2x2000x128xbf16, #tpu.memory_space<vmem>>, vector<1x2000x128xbf16>
    %get3A_8 = vector.shape_cast %get3A_7 : vector<1x2000x128xbf16> to vector<2000x128xbf16>
    %convert_element_type3A_9 = arith.extf %get3A_8 : vector<2000x128xbf16> to vector<2000x128xf32>
    %add3A = arith.addf %convert_element_type3A, %convert_element_type3A_9 : vector<2000x128xf32>
    %get3A_10 = arith.constant 0 : index
    %get3A_11 = arith.constant 0 : index
    %get3A_12 = vector.load %arg3[%get3A_10, %get3A_11] : memref<2000x128xf32, #tpu.memory_space<vmem>>, vector<2000x128xf32>
    %max3A = arith.constant 1.000000e+00 : f32
    %max3A_13 = vector.broadcast %max3A : f32 to vector<2000x128xf32>
    %max3A_14 = arith.maximumf %get3A_12, %max3A_13 : vector<2000x128xf32>
    %div3A = arith.divf %add3A, %max3A_14 : vector<2000x128xf32>
    %get3A_15 = arith.constant 0 : index
    %get3A_16 = arith.constant 0 : index
    %get3A_17 = vector.load %arg2[%get3A_15, %get3A_16] : memref<2000x128xf32, #tpu.memory_space<vmem>>, vector<2000x128xf32>
    %add3A_18 = arith.addf %div3A, %get3A_17 : vector<2000x128xf32>
    %get3A_19 = arith.constant 0 : index
    %get3A_20 = arith.constant 0 : index
    %get3A_21 = vector.load %arg4[%get3A_19, %get3A_20] : memref<1x128xf32, #tpu.memory_space<vmem>>, vector<1x128xf32>
    %add3A_22 = vector.broadcast %get3A_21 : vector<1x128xf32> to vector<2000x128xf32>
    %add3A_23 = arith.addf %add3A_18, %add3A_22 : vector<2000x128xf32>
    %reduce_max3A = arith.constant dense<0xFF800000> : vector<2000xf32>
    %reduce_max3A_24 = vector.multi_reduction <maximumf>, %add3A_23, %reduce_max3A [1] : vector<2000x128xf32> to vector<2000xf32>
    %broadcast_in_dim3A = vector.shape_cast %reduce_max3A_24 : vector<2000xf32> to vector<2000x1xf32>
    %sub3A = vector.broadcast %broadcast_in_dim3A : vector<2000x1xf32> to vector<2000x128xf32>
    %sub3A_25 = arith.subf %add3A_23, %sub3A : vector<2000x128xf32>
    %exp3A = math.exp %sub3A_25 : vector<2000x128xf32>
    %reduce_sum3A = arith.constant dense<0.000000e+00> : vector<2000xf32>
    %reduce_sum3A_26 = vector.multi_reduction <add>, %exp3A, %reduce_sum3A [1] : vector<2000x128xf32> to vector<2000xf32>
    %broadcast_in_dim3A_27 = vector.shape_cast %reduce_sum3A_26 : vector<2000xf32> to vector<2000x1xf32>
    %log3A = math.log %broadcast_in_dim3A_27 : vector<2000x1xf32>
    %sub3A_28 = vector.broadcast %log3A : vector<2000x1xf32> to vector<2000x128xf32>
    %sub3A_29 = arith.subf %sub3A_25, %sub3A_28 : vector<2000x128xf32>
    %swap3A = arith.constant 0 : index
    %swap3A_30 = arith.constant 0 : index
    %swap3A_31 = vector.load %arg5[%swap3A, %swap3A_30] : memref<2000x128xf32, #tpu.memory_space<vmem>>, vector<2000x128xf32>
    tpu.vector_store %arg5[%swap3A, %swap3A_30], %sub3A_29 {strides = array<i32>} : memref<2000x128xf32, #tpu.memory_space<vmem>>, vector<2000x128xf32>,
    return
  }
  func.func @transform_0(%arg0: i32) -> (i32, i32, i32) {
    %c0_i32 = arith.constant 0 : i32
    %c0_i32_0 = arith.constant 0 : i32
    %c0_i32_1 = arith.constant 0 : i32
    return %c0_i32, %arg0, %c0_i32_0 : i32, i32, i32
  }
  func.func @transform_1(%arg0: i32) -> (i32, i32) {
    %c0_i32 = arith.constant 0 : i32
    %c0_i32_0 = arith.constant 0 : i32
    return %arg0, %c0_i32 : i32, i32
  }
  func.func @transform_2(%arg0: i32) -> (i32, i32) {
    %c0_i32 = arith.constant 0 : i32
    %c0_i32_0 = arith.constant 0 : i32
    return %arg0, %c0_i32 : i32, i32
  }
  func.func @transform_3(%arg0: i32) -> (i32, i32) {
    %c0_i32 = arith.constant 0 : i32
    %c0_i32_0 = arith.constant 0 : i32
    %c0_i32_1 = arith.constant 0 : i32
    return %c0_i32, %c0_i32_0 : i32, i32
  }
  func.func @transform_4(%arg0: i32) -> (i32, i32) {
    %c0_i32 = arith.constant 0 : i32
    %c0_i32_0 = arith.constant 0 : i32
    return %arg0, %c0_i32 : i32, i32
  }
}

</mosaic_0001>

<sc_bundles>
// kernel: kernel.10.cloned.1.call-start
scs
__scs_entry_jumppad:
0x0: {  	(pc) =	sbr.rel $0x88, $3  }
0x1: {  	(tag) =	ssettag $0x0;
	lr =	simm.s32 $0x1  }
0x2: {  	[smem:$0x3F99] =	sst lr;
	_ =	strace $0xD0000000  }
0x3: {  	_ = 	snop  }
0x4: {  	_ = 	snop  }
0x5: {  	_ = 	snop  }
0x6: {  	_ = 	snop  }
0x7: {  	_ = 	snop  }
__scs_overlays_trampoline_lowered:
0x8: {  	[smem:$0x3FA8] =	sst s0  }
0x9: {  	[smem:$0x3FA9] =	sst s1  }
0xa: {  	[smem:$0x3FAA] =	sst s2  }
0xb: {  	[smem:$0x3FAB] =	sst s3  }
0xc: {  	[smem:$0x3FAC] =	sst s4  }
0xd: {  	[smem:$0x3FAD] =	sst s5  }
0xe: {  	[smem:$0x3FAE] =	sst s6  }
0xf: {  	[smem:$0x3FAF] =	sst s7  }
0x10: {  	[smem:$0x3FB0] =	sst s8  }
0x11: {  	[smem:$0x3FB1] =	sst s9;
	s0 =	simm.s32 @!p0 $0x0  }
0x12: {  	s1 =	sld [smem:$0x3F97];
	s0 =	simm.s32 @p0 $0x1  }
0x13: {  	[smem:$0x3FB2] =	sst s0;
	s0 =	simm.s32 @!p1 $0x0  }
0x14: {  	s2 =	sld [smem:$0x3F96];
	s0 =	simm.s32 @p1 $0x1  }
0x15: {  	[smem:$0x3FB3] =	sst s0;
	s0 =	simm.s32 @!p2 $0x0  }
0x16: {  	s3 =	sld [smem:$0x3FDB];
	s0 =	simm.s32 @p2 $0x1  }
0x17: {  	s4 =	simm.s32 $0x1BF5;
	[smem:$0x3FB5] =	sst s0  }
0x18: {  	s0 =	sld [smem:$0x3F98];
	_ =	swait.ge [sflag:s4], $0x0  }
0x19: {  	s7 =	sld [smem:$0x3F99]  }
0x1a: {  	s8 =	sadd.s32 $0xFFFFE003, lr  }
0x1b: {  	s9 =	sadd.s32 $0xFFFFFEF7, lr;
	s5 =	simm.s32 $0xFFFFFFFF;
	p2 =	slt.u32 s8, $0xFFFFF086  }
0x1c: {  	p1 =	slt.u32 s9, $0xF7A;
	s5 =	simm.s32 @!p2 $0x0  }
0x1d: {  	s5 =	simm.s32 @p1 $0x1;
	p0 =	seq.s32 s7, s2  }
0x1e: {  	s7 =	smul.u32 @!p0 $0xF7A, s2;
	p2 =	seq.s32 @!p0 s5, $0x0  }
0x1f: {  	s9 =	smul.u32 $0xF7A, s1;
	s8 =	simm.s32 @!p0 $0x1BF5;
	p2 =	por !p2, p0  }
0x20: {  	[sflag:s8] =	ssyncset.s32 @!p0 $0xFFFFF086;
	s6 =	sadd.s32 @!p0 s3, s7;
	s7 =	simm.s32 @!p0 $0x108  }
0x21: {  	s3 =	sadd.s32 s3, s9;
	s6 =	sadd.s32 @!p0 $0x88, s6;
	s7 =	simm.s32 @p2 $0x1082  }
0x22: {  	[simem:s7], [sflag:s8] =	dma.local @!p0 [hbm:s6], $0xF7A  }
0x23: {  	s9 =	sor.u32 $0xD0000000, s2;
	s6 =	simm.s32 $0x108;
	_ =	swait.ge @!p0 [sflag:s8], $0x0  }
0x24: {  	s3 =	sadd.s32 $0x88, s3;
	s6 =	simm.s32 @!p1 $0x1082;
	[sflag:s4] =	ssyncset.s32 $0xFFFFF086  }
0x25: {  	[simem:s6], [sflag:s4] =	dma.local [hbm:s3], $0xF7A  }
0x26: {  	[smem:$0x3F99] =	sst s1;
	(tag) =	ssettag s2;
	_ =	strace s9  }
0x27: {  	s1 =	sld [smem:$0x3FA9]  }
0x28: {  	s2 =	sld [smem:$0x3FAA]  }
0x29: {  	s4 =	sld [smem:$0x3FAC]  }
0x2a: {  	p0 =	seq.s32 s5, $0x0;
	s5 =	sld [smem:$0x3FAD]  }
0x2b: {  	s6 =	sld [smem:$0x3FAE]  }
0x2c: {  	s7 =	sld [smem:$0x3FAF]  }
0x2d: {  	s3 =	simm.s32 $0x108;
	s8 =	sld [smem:$0x3FB0]  }
0x2e: {  	s3 =	simm.s32 @!p0 $0x1082;
	s9 =	sld [smem:$0x3FB1]  }
0x2f: {  	lr =	sadd.s32 s0, s3;
	s0 =	sld [smem:$0x3FA8]  }
0x30: {  	s3 =	sld [smem:$0x3FAB]  }
0x31: {  	[smem:$0x3FB4] =	sst s10  }
0x32: {  	s10 =	sld [smem:$0x3FB2];
	_ =	sdelay $0x3  }
0x33: {  	p0 =	seq.s32 s10, $0x1;
	s10 =	sld [smem:$0x3FB4];
	_ =	sdelay $0x3  }
0x34: {  	[smem:$0x3FB4] =	sst s10  }
0x35: {  	s10 =	sld [smem:$0x3FB3];
	_ =	sdelay $0x3  }
0x36: {  	p1 =	seq.s32 s10, $0x1;
	s10 =	sld [smem:$0x3FB4];
	_ =	sdelay $0x3  }
0x37: {  	[smem:$0x3FB4] =	sst s10  }
0x38: {  	s10 =	sld [smem:$0x3FB5]  }
0x39: {  	_ = 	snop;
	(pc) =	sbr.ind lr, $3  }
0x3a: {  	_ = 	snop  }
0x3b: {  	_ = 	snop  }
0x3c: {  	p2 =	seq.s32 s10, $0x1;
	s10 =	sld [smem:$0x3FB4]  }
0x3d: {  	_ =	shalt  }
0x3e: {  	_ =	shalt  }
0x3f: {  	_ =	shalt  }
0x40: {  	_ =	shalt  }
0x41: {  	_ =	shalt  }
0x42: {  	_ =	shalt  }
0x43: {  	_ =	shalt  }
0x44: {  	_ =	shalt  }
0x45: {  	_ =	shalt  }
0x46: {  	_ =	shalt  }
0x47: {  	_ =	shalt  }
0x48: {  	_ =	shalt  }
0x49: {  	_ =	shalt  }
0x4a: {  	_ =	shalt  }
0x4b: {  	_ =	shalt  }
0x4c: {  	_ =	shalt  }
0x4d: {  	_ =	shalt  }
0x4e: {  	_ =	shalt  }
0x4f: {  	_ =	shalt  }
0x50: {  	_ =	shalt  }
0x51: {  	_ =	shalt  }
0x52: {  	_ =	shalt  }
0x53: {  	_ =	shalt  }
0x54: {  	_ =	shalt  }
0x55: {  	_ =	shalt  }
0x56: {  	_ =	shalt  }
0x57: {  	_ =	shalt  }
0x58: {  	_ =	shalt  }
0x59: {  	_ =	shalt  }
0x5a: {  	_ =	shalt  }
0x5b: {  	_ =	shalt  }
0x5c: {  	_ =	shalt  }
0x5d: {  	_ =	shalt  }
0x5e: {  	_ =	shalt  }
0x5f: {  	_ =	shalt  }
0x60: {  	_ =	shalt  }
0x61: {  	_ =	shalt  }
0x62: {  	_ =	shalt  }
0x63: {  	_ =	shalt  }
0x64: {  	_ =	shalt  }
0x65: {  	_ =	shalt  }
0x66: {  	_ =	shalt  }
0x67: {  	_ =	shalt  }
0x68: {  	_ =	shalt  }
0x69: {  	_ =	shalt  }
0x6a: {  	_ =	shalt  }
0x6b: {  	_ =	shalt  }
0x6c: {  	_ =	shalt  }
0x6d: {  	_ =	shalt  }
0x6e: {  	_ =	shalt  }
0x6f: {  	_ =	shalt  }
0x70: {  	_ =	shalt  }
0x71: {  	_ =	shalt  }
0x72: {  	_ =	shalt  }
0x73: {  	_ =	shalt  }
0x74: {  	_ =	shalt  }
0x75: {  	_ =	shalt  }
0x76: {  	_ =	shalt  }
0x77: {  	_ =	shalt  }
0x78: {  	_ =	shalt  }
0x79: {  	_ =	shalt  }
0x7a: {  	_ =	shalt  }
0x7b: {  	_ =	shalt  }
0x7c: {  	_ =	shalt  }
0x7d: {  	_ =	shalt  }
0x7e: {  	_ =	shalt  }
0x7f: {  	_ =	shalt  }
0x80: {  	_ =	shalt  }
0x81: {  	_ =	shalt  }
0x82: {  	_ =	shalt  }
0x83: {  	_ =	shalt  }
0x84: {  	_ =	shalt  }
0x85: {  	_ =	shalt  }
0x86: {  	_ =	shalt  }
0x87: {  	_ =	shalt  }
.Lfunc_end0:
.L_simem_size_0:
called_computation.1_lowered:
.L_overlay_start_0:
0x88: {  	s2 =	sld [smem:$0x3FD9]  }
0x89: {  	s3 =	sld [smem:$0x3FFE];
	_ =	sdelay $0x1  }
0x8a: {  	s1 =	srdreg.scid  }
0x8b: {  	s0 =	sand.u32 $0x1, s1  }
0x8c: {  	s17 =	sshll.u32 s0, $0xA;
	s2 =	sadd.s32 s3, s2  }
0x8d: {  	s2 =	sadd.s32 s2, s17  }
0x8e: {  	[smem:$0x3FC0] =	sst s2  }
0x8f: {  	_ = 	snop  }
0x90: {  	s2 =	sld [smem:$0x3FD0];
	(tm) =	ssettm $0x1  }
0x91: {  	s18 =	sld [smem:$0x3FFB];
	_ =	sdelay $0x3  }
0x92: {  	_ =	strace s18  }
0x93: {  	s3 =	sld [smem:$0x3FFC];
	_ =	sdelay $0x3  }
0x94: {  	_ =	strace s3  }
0x95: {  	s3 =	sld [smem:$0x3FFD];
	_ =	sdelay $0x3  }
0x96: {  	_ =	strace s3  }
0x97: {  	_ =	strace $0x8FFFFFFF  }
0x98: {  	s19 =	sld [smem:$0x3FDB];
	_ =	sdelay $0x1  }
0x99: {  	s4 =	simm.s32 $_scs_section_size  }
0x9a: {  	s5 =	simm.s32 $_size__tile_overlayer_lowered;
	s6 =	simm.s32 $_tile_overlayer_lowered  }
0x9b: {  	s22 =	simm.s32 $0x1BFF;
	s21 =	sshll.u32 s6, $0x1;
	s3 =	sadd.s32 s4, s19  }
0x9c: {  	s7 =	simm.s32 $0x0;
	s20 =	sshll.u32 s5, $0x1;
	s5 =	sadd.s32 s21, s3  }
0x9d: {  	[timem:s7], [sflag:s22] =	dma.local [hbm:s5], s20  }
0x9e: {  	_ =	swait.ge [sflag:s22], s20  }
0x9f: {  	s4 =	ssub.s32 $0x0, s20;
	[sflag:s22] =	ssyncset.done $0x0  }
0xa0: {  	[sflag:s22] =	ssyncadd.s32 s4;
	_ =	sdelay $0x1  }
0xa1: {  	s23 =	simm.s32 $0x1B8B  }
0xa2: {  	_ =	swait.ge [sflag:s23], $0x1  }
0xa3: {  	[sflag:s23] =	ssyncset.done $0x0  }
0xa4: {  	s25 =	simm.s32 $0x1B8E;
	s24 =	sld [smem:$0x3FFE];
	[sflag:s23] =	ssyncadd.s32 $0xFFFFFFFF  }
0xa5: {  	s26 =	simm.s32 $execute0_lowered;
	[smem:$0x3FD2] =	sst s25  }
0xa6: {  	s5 =	sshll.u32 s26, $0x1;
	_ =	strace $0x80000049;
	[dreg:$0x1] =	wrdreg $0xFFFFFFFF  }
0xa7: {  	s28 =	simm.s32 $_size_execute0_lowered;
	s3 =	sadd.s32 s3, s5;
	[dreg:$0x0] =	wrdreg $0x0  }
0xa8: {  	s5 =	sshll.u32 s28, $0x1;
	[dreg:$0x2] =	wrdreg s3  }
0xa9: {  	[dreg:$0x3] =	wrdreg s5  }
0xaa: {  	[dreg:$0x4] =	wrdreg $0xC0  }
0xab: {  	_ =	task [dreg:s7], $0x5FFFF  }
0xac: {  	[dreg:$0x1] =	wrdreg $0xFFFFFFFF  }
0xad: {  	[dreg:$0x0] =	wrdreg $0x60  }
0xae: {  	[dreg:$0x2] =	wrdreg s2  }
0xaf: {  	[dreg:$0x3] =	wrdreg s24  }
0xb0: {  	[dreg:$0x4] =	wrdreg $0x70000  }
0xb1: {  	[dreg:$0x5] =	wrdreg $0x10C800  }
0xb2: {  	[dreg:$0x6] =	wrdreg $0x9  }
0xb3: {  	_ =	task.clear_ibuf [dreg:s7], $0x7FFFF;
	_ =	strace $0x90000049  }
0xb4: {  	s29 =	simm.s32 $0x9;
	_ =	strace $0x8000004B  }
0xb5: {  	_ =	swait.ge [sflag:s29], $0x1  }
0xb6: {  	[sflag:s29] =	ssyncadd.s32 $0xFFFFFFFF  }
0xb7: {  	_ =	strace $0x9000004B  }
0xb8: {  	_ =	sfence  }
0xb9: {  	s30 =	sld [smem:$0x0];
	_ =	sdelay $0x2  }
0xba: {  	s31 =	sshll.u32 s1, $0xD;
	s1 =	sshrl.u32 s1, $0x2  }
0xbb: {  	s3 =	sand.u32 $0x4000, s31;
	s1 =	sadd.s32 s1, s30  }
0xbc: {  	s0 =	sor.u32 s3, s0;
	s1 =	sshll.u32 s1, $0x11  }
0xbd: {  	s0 =	sor.u32 s1, s0  }
0xbe: {  	s0 =	sadd.s32 $0x8F2B, s0  }
0xbf: {  	[sflag:s0] =	ssyncadd.remote.s32 $0x1  }
0xc0: {  	_ =	sfence.sel $0xFFFF  }
0xc1: {  	[dreg:$0x0] =	wrdreg $0xFFFFFFFF;
	(pc) =	sbr.abs _section_cstart, $3  }
0xc2: {  	[dreg:$0x1] =	wrdreg $0xFFFFFFFF  }
0xc3: {  	_ =	task.clear_ibuf [dreg:s7], $0x2FFFF;
	_ =	strace $0x9FFFFFFF  }
0xc4: {  	(tm) =	ssettm $0x7FFFFFFF  }
0xc5: {  	_ =	shalt  }
tec
execute0_lowered:
.L_overlay_start_1:
0x0: {  	(tag) =	ssettag $0x1  }
0x1: {  	s0 =	rddreg [dreg:$0x0]  }
0x2: {  	s1 =	srdreg.scid;
	s6 =	rddreg [dreg:$0x1]  }
0x3: {  	s14 =	stileid.u32;
	s2 =	rddreg [dreg:$0x2];
	s15 =	simm.s32 $0x2800  }
0x4: {  	s16 =	simm.s32 $0x20;
	s17 =	simm.s32 $0x5000;
	s18 =	simm.s32 $0x5800  }
0x5: {  	s20 =	simm.s32 $0x6000;
	s22 =	simm.s32 $0x6800;
	s29 =	simm.s32 $0x6  }
0x6: {  	s31 =	simm.s32 $0x3;
	s21 =	simm.s32 $0x4;
	s28 =	simm.s32 $0x8  }
0x7: {  	s1 =	sand.u32 $0x1, s1;
	s3 =	sshll.u32 s14, $0x1;
	s7 =	smul.u32 $0x13900, s14  }
0x8: {  	s11 =	smul.u32 $0x13880, s14;
	s24 =	sshll.u32 s14, $0x6;
	s4 =	sor.u32 s1, s3  }
0x9: {  	s3 =	rddreg [dreg:$0x3];
	s8 =	smul.u32 $0x139000, s1;
	s1 =	ssub.s32 $0x2, s1  }
0xa: {  	s5 =	smul.u32 $0x500, s4;
	s4 =	simm.s32 $0x0;
	s10 =	sshrl.u32 s1, $0x1  }
0xb: {  	s23 =	sshrl.u32 s7, $0x1;
	s25 =	sshrl.u32 s11, $0x1;
	s30 =	sshrl.u32 s11, $0x4  }
0xc: {  	[smem:$0x7FF] =	sst s4;
	s8 =	sadd.s32 s7, s8;
	s1 =	ssub.s32 s1, s10  }
0xd: {  	s13 =	sadd.s32 s23, s2;
	s26 =	sadd.s32 s25, s3;
	s7 =	sadd.s32 s0, s30  }
0xe: {  	s23 =	simm.s32 $0x1;
	s0 =	simm.s32 $0x7;
	_ =	strace $0x8000004A  }
0xf: {  	s9 =	sadd.s32 s5, s6;
	s5 =	sadd.s32 $0x47E00, s6;
	s8 =	sshrl.u32 s8, $0x4  }
0x10: {  	s11 =	smax.u32 s1, $0x1;
	s14 =	sshrl.u32 s26, $0x3;
	s26 =	simm.s32 $0x2  }
0x11: {  	s1 =	simm.s32 $0x0;
	s12 =	sadd.s32 s8, s6;
	s6 =	sor.u32 $0x1C09, s24  }
0x12: {  	s8 =	sadd.s32 $0xCE00, s9;
	s9 =	sadd.s32 $0x2E00, s9;
	s24 =	simm.s32 $0x5  }
0x13: {  	s10 =	sadd.s32 $0x16E00, s12;
	s12 =	sshrl.u32 s13, $0x3;
	s13 =	simm.s32 $0x9  }
.LBB2_1:
0x14: {  	[spmem:s12], [sflag:s6] =	dma.local [hbm:s5], $0x1390  }
0x15: {  	_ =	swait.ge [sflag:s13], $0x1390  }
0x16: {  	[sflag:s13] =	ssyncset.done $0x0  }
0x17: {  	[sflag:s13] =	ssyncadd.s32 $0xFFFFEC70  }
0x18: {  	[spmem:s14], [sflag:s6] =	dma.local [hbm:s7], $0x1388  }
0x19: {  	_ =	swait.ge [sflag:s13], $0x1388  }
0x1a: {  	[sflag:s13] =	ssyncset.done $0x0  }
0x1b: {  	[sflag:s13] =	ssyncadd.s32 $0xFFFFEC78  }
0x1c: {  	[tilespmem:s4], [sflag:$0x9] =	stream.linear.gather [hbm4b:s8+s4], $0x2800, $0x38;
	[tilespmem:$0x1A8C0] =	vst v63  }
0x1d: {  	_ =	swait.ge [sflag:s13], $0x2800  }
0x1e: {  	[sflag:s13] =	ssyncset.done $0x0  }
0x1f: {  	[sflag:s13] =	ssyncadd.s32 $0xFFFFD800  }
0x20: {  	[tilespmem:s15], [sflag:$0x9] =	stream.linear.gather [hbm4b:s9+s4], $0x2800, $0x38;
	[tilespmem:$0x1A8C0] =	vst v63  }
0x21: {  	_ =	swait.ge [sflag:s13], $0x2800  }
0x22: {  	[sflag:s13] =	ssyncset.done $0x0  }
0x23: {  	[sflag:s13] =	ssyncadd.s32 $0xFFFFD800  }
0x24: {  	[bflag:$0x0] =	sbarrier.arrive $0xFFFF  }
0x25: {  	[tilespmem:s17], [sflag:$0x1] =	stream.indirect.gather [spmem:s3], $0x40, s4, s16, $0xb8;
	[tilespmem:$0x1A8C0] =	vst v63  }
0x26: {  	_ = 	snop  }
0x27: {  	[tilespmem:s18], [sflag:$0x2] =	stream.indirect.gather [spmem:s3], $0x40, s16, s16, $0xb8;
	[tilespmem:$0x1A8C0] =	vst v63  }
0x28: {  	s19 =	simm.s32 $0x40  }
0x29: {  	[tilespmem:s20], [sflag:$0x3] =	stream.indirect.gather [spmem:s3], $0x40, s19, s16, $0xb8;
	[tilespmem:$0x1A8C0] =	vst v63  }
0x2a: {  	s25 =	simm.s32 $0x60  }
0x2b: {  	[tilespmem:s22], [sflag:$0x4] =	stream.indirect.gather [spmem:s3], $0x40, s25, s16, $0xb8;
	[tilespmem:$0x1A8C0] =	vst v63  }
0x2c: {  	_ =	swait.ge [sflag:s23], $0x800  }
0x2d: {  	[sflag:s23] =	ssyncset.done $0x0  }
0x2e: {  	[sflag:s23] =	ssyncadd.s32 $0xFFFFF800  }
0x2f: {  	[spmem:s2] =	stream.indirect.scatter.add.bf16 [tilespmem:s17], [sflag:$0x5], $0x40, s15, s16, $0xb8;
	[tilespmem:$0x1A8C0] =	vst v63  }
0x30: {  	_ =	swait.ge [sflag:s24], $0x800  }
0x31: {  	[sflag:s24] =	ssyncset.done $0x0  }
0x32: {  	s30 =	simm.s32 $0x80;
	[sflag:s24] =	ssyncadd.s32 $0xFFFFF800  }
0x33: {  	[tilespmem:s17], [sflag:$0x1] =	stream.indirect.gather [spmem:s3], $0x40, s30, s16, $0xb8;
	[tilespmem:$0x1A8C0] =	vst v63  }
0x34: {  	_ =	swait.ge [sflag:s26], $0x800  }
0x35: {  	[sflag:s26] =	ssyncset.done $0x0  }
0x36: {  	s25 =	simm.s32 $0x2820;
	[sflag:s26] =	ssyncadd.s32 $0xFFFFF800  }
0x37: {  	[spmem:s2] =	stream.indirect.scatter.add.bf16 [tilespmem:s18], [sflag:$0x6], $0x40, s25, s16, $0xb8;
	[tilespmem:$0x1A8C0] =	vst v63  }
0x38: {  	_ =	swait.ge [sflag:s29], $0x800  }
0x39: {  	[sflag:s29] =	ssyncset.done $0x0  }
0x3a: {  	s30 =	simm.s32 $0xA0;
	[sflag:s29] =	ssyncadd.s32 $0xFFFFF800  }
0x3b: {  	[tilespmem:s18], [sflag:$0x2] =	stream.indirect.gather [spmem:s3], $0x40, s30, s16, $0xb8;
	[tilespmem:$0x1A8C0] =	vst v63  }
0x3c: {  	_ =	swait.ge [sflag:s31], $0x800  }
0x3d: {  	[sflag:s31] =	ssyncset.done $0x0  }
0x3e: {  	s25 =	simm.s32 $0x2840;
	[sflag:s31] =	ssyncadd.s32 $0xFFFFF800  }
0x3f: {  	[spmem:s2] =	stream.indirect.scatter.add.bf16 [tilespmem:s20], [sflag:$0x7], $0x40, s25, s16, $0xb8;
	[tilespmem:$0x1A8C0] =	vst v63  }
0x40: {  	_ =	swait.ge [sflag:s0], $0x800  }
0x41: {  	[sflag:s0] =	ssyncset.done $0x0  }
0x42: {  	s30 =	simm.s32 $0xC0;
	[sflag:s0] =	ssyncadd.s32 $0xFFFFF800  }
0x43: {  	[tilespmem:s20], [sflag:$0x3] =	stream.indirect.gather [spmem:s3], $0x40, s30, s16, $0xb8;
	[tilespmem:$0x1A8C0] =	vst v63  }
0x44: {  	_ =	swait.ge [sflag:s21], $0x800  }
0x45: {  	[sflag:s21] =	ssyncset.done $0x0  }
0x46: {  	s25 =	simm.s32 $0x2860;
	[sflag:s21] =	ssyncadd.s32 $0xFFFFF800  }
0x47: {  	[spmem:s2] =	stream.indirect.scatter.add.bf16 [tilespmem:s22], [sflag:$0x8], $0x40, s25, s16, $0xb8;
	[tilespmem:$0x1A8C0] =	vst v63  }
0x48: {  	_ =	swait.ge [sflag:s28], $0x800  }
0x49: {  	[sflag:s28] =	ssyncset.done $0x0  }
0x4a: {  	s30 =	simm.s32 $0xE0;
	[sflag:s28] =	ssyncadd.s32 $0xFFFFF800  }
0x4b: {  	[tilespmem:s22], [sflag:$0x4] =	stream.indirect.gather [spmem:s3], $0x40, s30, s16, $0xb8;
	[tilespmem:$0x1A8C0] =	vst v63  }
0x4c: {  	_ =	swait.ge [sflag:s23], $0x800  }
0x4d: {  	[sflag:s23] =	ssyncset.done $0x0  }
0x4e: {  	s25 =	simm.s32 $0x2880;
	[sflag:s23] =	ssyncadd.s32 $0xFFFFF800  }
0x4f: {  	[spmem:s2] =	stream.indirect.scatter.add.bf16 [tilespmem:s17], [sflag:$0x5], $0x40, s25, s16, $0xb8;
	[tilespmem:$0x1A8C0] =	vst v63  }
0x50: {  	_ =	swait.ge [sflag:s24], $0x800  }
0x51: {  	[sflag:s24] =	ssyncset.done $0x0  }
0x52: {  	s30 =	simm.s32 $0x100;
	[sflag:s24] =	ssyncadd.s32 $0xFFFFF800  }
0x53: {  	[tilespmem:s17], [sflag:$0x1] =	stream.indirect.gather [spmem:s3], $0x40, s30, s16, $0xb8;
	[tilespmem:$0x1A8C0] =	vst v63  }
0x54: {  	_ =	swait.ge [sflag:s26], $0x800  }
0x55: {  	[sflag:s26] =	ssyncset.done $0x0  }
0x56: {  	s25 =	simm.s32 $0x28A0;
	[sflag:s26] =	ssyncadd.s32 $0xFFFFF800  }
0x57: {  	[spmem:s2] =	stream.indirect.scatter.add.bf16 [tilespmem:s18], [sflag:$0x6], $0x40, s25, s16, $0xb8;
	[tilespmem:$0x1A8C0] =	vst v63  }
0x58: {  	_ =	swait.ge [sflag:s29], $0x800  }
0x59: {  	[sflag:s29] =	ssyncset.done $0x0  }
0x5a: {  	s30 =	simm.s32 $0x120;
	[sflag:s29] =	ssyncadd.s32 $0xFFFFF800  }
0x5b: {  	[tilespmem:s18], [sflag:$0x2] =	stream.indirect.gather [spmem:s3], $0x40, s30, s16, $0xb8;
	[tilespmem:$0x1A8C0] =	vst v63  }
0x5c: {  	_ =	swait.ge [sflag:s31], $0x800  }
0x5d: {  	[sflag:s31] =	ssyncset.done $0x0  }
0x5e: {  	s25 =	simm.s32 $0x28C0;
	[sflag:s31] =	ssyncadd.s32 $0xFFFFF800  }
0x5f: {  	[spmem:s2] =	stream.indirect.scatter.add.bf16 [tilespmem:s20], [sflag:$0x7], $0x40, s25, s16, $0xb8;
	[tilespmem:$0x1A8C0] =	vst v63  }
0x60: {  	_ =	swait.ge [sflag:s0], $0x800  }
0x61: {  	[sflag:s0] =	ssyncset.done $0x0  }
0x62: {  	s30 =	simm.s32 $0x140;
	[sflag:s0] =	ssyncadd.s32 $0xFFFFF800  }
0x63: {  	[tilespmem:s20], [sflag:$0x3] =	stream.indirect.gather [spmem:s3], $0x40, s30, s16, $0xb8;
	[tilespmem:$0x1A8C0] =	vst v63  }
0x64: {  	_ =	swait.ge [sflag:s21], $0x800  }
0x65: {  	[sflag:s21] =	ssyncset.done $0x0  }
0x66: {  	s19 =	simm.s32 $0x200;
	s25 =	simm.s32 $0x28E0;
	[sflag:s21] =	ssyncadd.s32 $0xFFFFF800  }
.LBB2_2:
0x67: {  	[spmem:s2] =	stream.indirect.scatter.add.bf16 [tilespmem:s22], [sflag:$0x8], $0x40, s25, s16, $0xb8;
	[tilespmem:$0x1A8C0] =	vst v63  }
0x68: {  	s25 =	smov.u32 s19  }
0x69: {  	p0 =	sne.s32 s19, $0x9A00;
	s19 =	sadd.s32 $0x200, s19;
	_ =	swait.ge [sflag:s28], $0x800  }
0x6a: {  	s25 =	sshra.s32 s25, $0x2;
	[sflag:s28] =	ssyncset.done $0x0  }
0x6b: {  	s30 =	sadd.s32 $0xE0, s25;
	[sflag:s28] =	ssyncadd.s32 $0xFFFFF800  }
0x6c: {  	[tilespmem:s22], [sflag:$0x4] =	stream.indirect.gather [spmem:s3], $0x40, s30, s16, $0xb8;
	[tilespmem:$0x1A8C0] =	vst v63  }
0x6d: {  	_ =	swait.ge [sflag:s23], $0x800  }
0x6e: {  	[sflag:s23] =	ssyncset.done $0x0  }
0x6f: {  	s30 =	sadd.s32 $0x2880, s25;
	[sflag:s23] =	ssyncadd.s32 $0xFFFFF800  }
0x70: {  	[spmem:s2] =	stream.indirect.scatter.add.bf16 [tilespmem:s17], [sflag:$0x5], $0x40, s30, s16, $0xb8;
	[tilespmem:$0x1A8C0] =	vst v63  }
0x71: {  	_ =	swait.ge [sflag:s24], $0x800  }
0x72: {  	[sflag:s24] =	ssyncset.done $0x0  }
0x73: {  	s30 =	sadd.s32 $0x100, s25;
	[sflag:s24] =	ssyncadd.s32 $0xFFFFF800  }
0x74: {  	[tilespmem:s17], [sflag:$0x1] =	stream.indirect.gather [spmem:s3], $0x40, s30, s16, $0xb8;
	[tilespmem:$0x1A8C0] =	vst v63  }
0x75: {  	_ =	swait.ge [sflag:s26], $0x800  }
0x76: {  	[sflag:s26] =	ssyncset.done $0x0  }
0x77: {  	s30 =	sadd.s32 $0x28A0, s25;
	[sflag:s26] =	ssyncadd.s32 $0xFFFFF800  }
0x78: {  	[spmem:s2] =	stream.indirect.scatter.add.bf16 [tilespmem:s18], [sflag:$0x6], $0x40, s30, s16, $0xb8;
	[tilespmem:$0x1A8C0] =	vst v63  }
0x79: {  	_ =	swait.ge [sflag:s29], $0x800  }
0x7a: {  	[sflag:s29] =	ssyncset.done $0x0  }
0x7b: {  	s30 =	sadd.s32 $0x120, s25;
	[sflag:s29] =	ssyncadd.s32 $0xFFFFF800  }
0x7c: {  	[tilespmem:s18], [sflag:$0x2] =	stream.indirect.gather [spmem:s3], $0x40, s30, s16, $0xb8;
	[tilespmem:$0x1A8C0] =	vst v63  }
0x7d: {  	_ =	swait.ge [sflag:s31], $0x800  }
0x7e: {  	[sflag:s31] =	ssyncset.done $0x0  }
0x7f: {  	s30 =	sadd.s32 $0x28C0, s25;
	[sflag:s31] =	ssyncadd.s32 $0xFFFFF800  }
0x80: {  	[spmem:s2] =	stream.indirect.scatter.add.bf16 [tilespmem:s20], [sflag:$0x7], $0x40, s30, s16, $0xb8;
	[tilespmem:$0x1A8C0] =	vst v63  }
0x81: {  	_ =	swait.ge [sflag:s0], $0x800  }
0x82: {  	[sflag:s0] =	ssyncset.done $0x0  }
.Ltmp0:
0x83: {  	s30 =	sadd.s32 $0x140, s25;
	[sflag:s0] =	ssyncadd.s32 $0xFFFFF800;
	(pc) =	sbr.rel @p0 .LBB2_2-.Ltmp0, $4  }
0x84: {  	[tilespmem:s20], [sflag:$0x3] =	stream.indirect.gather [spmem:s3], $0x40, s30, s16, $0xb8;
	[tilespmem:$0x1A8C0] =	vst v63  }
0x85: {  	_ =	swait.ge [sflag:s21], $0x800  }
0x86: {  	[sflag:s21] =	ssyncset.done $0x0  }
0x87: {  	s25 =	sadd.s32 $0x28E0, s25;
	[sflag:s21] =	ssyncadd.s32 $0xFFFFF800  }
0x88: {  	[spmem:s2] =	stream.indirect.scatter.add.bf16 [tilespmem:s22], [sflag:$0x8], $0x40, s25, s16, $0xb8;
	[tilespmem:$0x1A8C0] =	vst v63  }
0x89: {  	_ =	swait.ge [sflag:s28], $0x800  }
0x8a: {  	[sflag:s28] =	ssyncset.done $0x0  }
0x8b: {  	s19 =	simm.s32 $0x27E0;
	[sflag:s28] =	ssyncadd.s32 $0xFFFFF800  }
0x8c: {  	[tilespmem:s22], [sflag:$0x4] =	stream.indirect.gather [spmem:s3], $0x40, s19, s16, $0xb8;
	[tilespmem:$0x1A8C0] =	vst v63  }
0x8d: {  	_ =	swait.ge [sflag:s23], $0x800  }
0x8e: {  	[sflag:s23] =	ssyncset.done $0x0  }
0x8f: {  	s25 =	simm.s32 $0x4F80;
	[sflag:s23] =	ssyncadd.s32 $0xFFFFF800  }
0x90: {  	[spmem:s2] =	stream.indirect.scatter.add.bf16 [tilespmem:s17], [sflag:$0x5], $0x40, s25, s16, $0xb8;
	[tilespmem:$0x1A8C0] =	vst v63  }
0x91: {  	_ =	swait.ge [sflag:s26], $0x800  }
0x92: {  	[sflag:s26] =	ssyncset.done $0x0  }
0x93: {  	s30 =	simm.s32 $0x4FA0;
	[sflag:s26] =	ssyncadd.s32 $0xFFFFF800  }
0x94: {  	[spmem:s2] =	stream.indirect.scatter.add.bf16 [tilespmem:s18], [sflag:$0x6], $0x40, s30, s16, $0xb8;
	[tilespmem:$0x1A8C0] =	vst v63  }
0x95: {  	_ =	swait.ge [sflag:s31], $0x800  }
0x96: {  	[sflag:s31] =	ssyncset.done $0x0  }
0x97: {  	s25 =	simm.s32 $0x4FC0;
	[sflag:s31] =	ssyncadd.s32 $0xFFFFF800  }
0x98: {  	[spmem:s2] =	stream.indirect.scatter.add.bf16 [tilespmem:s20], [sflag:$0x7], $0x40, s25, s16, $0xb8;
	[tilespmem:$0x1A8C0] =	vst v63  }
0x99: {  	_ =	swait.ge [sflag:s21], $0x800  }
0x9a: {  	[sflag:s21] =	ssyncset.done $0x0  }
0x9b: {  	s30 =	simm.s32 $0x4FE0;
	[sflag:s21] =	ssyncadd.s32 $0xFFFFF800  }
0x9c: {  	[spmem:s2] =	stream.indirect.scatter.add.bf16 [tilespmem:s22], [sflag:$0x8], $0x40, s30, s16, $0xb8;
	[tilespmem:$0x1A8C0] =	vst v63  }
0x9d: {  	_ =	swait.ge [sflag:s24], $0x800  }
0x9e: {  	[sflag:s24] =	ssyncset.done $0x0  }
0x9f: {  	[sflag:s24] =	ssyncadd.s32 $0xFFFFF800  }
0xa0: {  	_ =	swait.ge [sflag:s29], $0x800  }
0xa1: {  	[sflag:s29] =	ssyncset.done $0x0  }
0xa2: {  	[sflag:s29] =	ssyncadd.s32 $0xFFFFF800  }
0xa3: {  	_ =	swait.ge [sflag:s0], $0x800  }
0xa4: {  	[sflag:s0] =	ssyncset.done $0x0  }
0xa5: {  	[sflag:s0] =	ssyncadd.s32 $0xFFFFF800  }
0xa6: {  	_ =	swait.ge [sflag:s28], $0x800  }
0xa7: {  	s1 =	sadd.s32 $0x1, s1;
	[sflag:s28] =	ssyncset.done $0x0  }
0xa8: {  	p0 =	sne.s32 s1, s11;
	[sflag:s28] =	ssyncadd.s32 $0xFFFFF800  }
.Ltmp1:
0xa9: {  	[bflag:$0x0] =	sbarrier.arrive $0xFFFF;
	(pc) =	sbr.rel @p0 .LBB2_1-.Ltmp1, $4  }
0xaa: {  	[hbm:s10], [sflag:s6] =	dma.local [spmem:s12], $0x1390  }
0xab: {  	_ =	swait.ge [sflag:s13], $0x1390  }
0xac: {  	[sflag:s13] =	ssyncset.done $0x0  }
0xad: {  	[sflag:s13] =	ssyncadd.s32 $0xFFFFEC70  }
0xae: {  	_ =	sfence.sel $0x180000  }
0xaf: {  	[bflag:$0x0] =	sbarrier.arrive $0xFFFF  }
0xb0: {  	_ =	strace $0x9000004A  }
0xb1: {  	s0 =	stileid.u32;
	[bflag:$0x2] =	sbarrier.arrive $0xFFFF  }
0xb2: {  	p0 =	sne.s32 s0, $0x0;
	s0 =	rddreg [dreg:$0x4]  }
0xb3: {  	s0 =	sadd.s32 @!p0 $0x100000, s0  }
0xb4: {  	[sflag:s0] =	ssyncadd.tile.s32 @!p0 $0x1;
	_ =	shalt  }
.Lfunc_end2:
_tile_overlayer_lowered:
.L_overlay_start_2:
0xb5: {  	(tag) =	ssettag $0x2  }
0xb6: {  	s0 =	rddreg [dreg:$0x0];
	s2 =	stileid.u32  }
0xb7: {  	s1 =	rddreg [dreg:$0x1];
	p0 =	sne.s32 s2, $0x0  }
0xb8: {  	s3 =	rddreg [dreg:$0x2];
	[bflag:$0x3] =	sbarrier.arrive $0xFFFF;
	s2 =	simm.s32 @!p0 $0x1C09  }
0xb9: {  	[timem:s3], [sflag:s2] =	dma.local @!p0 [hbm:s0], s1  }
0xba: {  	s0 =	simm.s32 @!p0 $0x9  }
0xbb: {  	_ =	swait.ge @!p0 [sflag:s0], s1  }
0xbc: {  	s1 =	ssub.s32 @!p0 $0x0, s1;
	[sflag:s0] =	ssyncset.done @!p0 $0x0  }
0xbd: {  	[sflag:s0] =	ssyncadd.s32 @!p0 s1  }
0xbe: {  	[bflag:$0x3] =	sbarrier.arrive $0xFFFF  }
0xbf: {  	_ =	shalt  }

// kernel: kernel.7.cloned.1.call-start
scs
__scs_entry_jumppad:
0x0: {  	(pc) =	sbr.rel $0x88, $3  }
0x1: {  	(tag) =	ssettag $0x0;
	lr =	simm.s32 $0x1  }
0x2: {  	[smem:$0x3F99] =	sst lr;
	_ =	strace $0xD0000000  }
0x3: {  	_ = 	snop  }
0x4: {  	_ = 	snop  }
0x5: {  	_ = 	snop  }
0x6: {  	_ = 	snop  }
0x7: {  	_ = 	snop  }
__scs_overlays_trampoline_lowered:
0x8: {  	[smem:$0x3FA8] =	sst s0  }
0x9: {  	[smem:$0x3FA9] =	sst s1  }
0xa: {  	[smem:$0x3FAA] =	sst s2  }
0xb: {  	[smem:$0x3FAB] =	sst s3  }
0xc: {  	[smem:$0x3FAC] =	sst s4  }
0xd: {  	[smem:$0x3FAD] =	sst s5  }
0xe: {  	[smem:$0x3FAE] =	sst s6  }
0xf: {  	[smem:$0x3FAF] =	sst s7  }
0x10: {  	[smem:$0x3FB0] =	sst s8  }
0x11: {  	[smem:$0x3FB1] =	sst s9;
	s0 =	simm.s32 @!p0 $0x0  }
0x12: {  	s1 =	sld [smem:$0x3F97];
	s0 =	simm.s32 @p0 $0x1  }
0x13: {  	[smem:$0x3FB2] =	sst s0;
	s0 =	simm.s32 @!p1 $0x0  }
0x14: {  	s2 =	sld [smem:$0x3F96];
	s0 =	simm.s32 @p1 $0x1  }
0x15: {  	[smem:$0x3FB3] =	sst s0;
	s0 =	simm.s32 @!p2 $0x0  }
0x16: {  	s3 =	sld [smem:$0x3FDB];
	s0 =	simm.s32 @p2 $0x1  }
0x17: {  	s4 =	simm.s32 $0x1BF5;
	[smem:$0x3FB5] =	sst s0  }
0x18: {  	s0 =	sld [smem:$0x3F98];
	_ =	swait.ge [sflag:s4], $0x0  }
0x19: {  	s7 =	sld [smem:$0x3F99]  }
0x1a: {  	s8 =	sadd.s32 $0xFFFFE003, lr  }
0x1b: {  	s9 =	sadd.s32 $0xFFFFFEF7, lr;
	s5 =	simm.s32 $0xFFFFFFFF;
	p2 =	slt.u32 s8, $0xFFFFF086  }
0x1c: {  	p1 =	slt.u32 s9, $0xF7A;
	s5 =	simm.s32 @!p2 $0x0  }
0x1d: {  	s5 =	simm.s32 @p1 $0x1;
	p0 =	seq.s32 s7, s2  }
0x1e: {  	s7 =	smul.u32 @!p0 $0xF7A, s2;
	p2 =	seq.s32 @!p0 s5, $0x0  }
0x1f: {  	s9 =	smul.u32 $0xF7A, s1;
	s8 =	simm.s32 @!p0 $0x1BF5;
	p2 =	por !p2, p0  }
0x20: {  	[sflag:s8] =	ssyncset.s32 @!p0 $0xFFFFF086;
	s6 =	sadd.s32 @!p0 s3, s7;
	s7 =	simm.s32 @!p0 $0x108  }
0x21: {  	s3 =	sadd.s32 s3, s9;
	s6 =	sadd.s32 @!p0 $0x88, s6;
	s7 =	simm.s32 @p2 $0x1082  }
0x22: {  	[simem:s7], [sflag:s8] =	dma.local @!p0 [hbm:s6], $0xF7A  }
0x23: {  	s9 =	sor.u32 $0xD0000000, s2;
	s6 =	simm.s32 $0x108;
	_ =	swait.ge @!p0 [sflag:s8], $0x0  }
0x24: {  	s3 =	sadd.s32 $0x88, s3;
	s6 =	simm.s32 @!p1 $0x1082;
	[sflag:s4] =	ssyncset.s32 $0xFFFFF086  }
0x25: {  	[simem:s6], [sflag:s4] =	dma.local [hbm:s3], $0xF7A  }
0x26: {  	[smem:$0x3F99] =	sst s1;
	(tag) =	ssettag s2;
	_ =	strace s9  }
0x27: {  	s1 =	sld [smem:$0x3FA9]  }
0x28: {  	s2 =	sld [smem:$0x3FAA]  }
0x29: {  	s4 =	sld [smem:$0x3FAC]  }
0x2a: {  	p0 =	seq.s32 s5, $0x0;
	s5 =	sld [smem:$0x3FAD]  }
0x2b: {  	s6 =	sld [smem:$0x3FAE]  }
0x2c: {  	s7 =	sld [smem:$0x3FAF]  }
0x2d: {  	s3 =	simm.s32 $0x108;
	s8 =	sld [smem:$0x3FB0]  }
0x2e: {  	s3 =	simm.s32 @!p0 $0x1082;
	s9 =	sld [smem:$0x3FB1]  }
0x2f: {  	lr =	sadd.s32 s0, s3;
	s0 =	sld [smem:$0x3FA8]  }
0x30: {  	s3 =	sld [smem:$0x3FAB]  }
0x31: {  	[smem:$0x3FB4] =	sst s10  }
0x32: {  	s10 =	sld [smem:$0x3FB2];
	_ =	sdelay $0x3  }
0x33: {  	p0 =	seq.s32 s10, $0x1;
	s10 =	sld [smem:$0x3FB4];
	_ =	sdelay $0x3  }
0x34: {  	[smem:$0x3FB4] =	sst s10  }
0x35: {  	s10 =	sld [smem:$0x3FB3];
	_ =	sdelay $0x3  }
0x36: {  	p1 =	seq.s32 s10, $0x1;
	s10 =	sld [smem:$0x3FB4];
	_ =	sdelay $0x3  }
0x37: {  	[smem:$0x3FB4] =	sst s10  }
0x38: {  	s10 =	sld [smem:$0x3FB5]  }
0x39: {  	_ = 	snop;
	(pc) =	sbr.ind lr, $3  }
0x3a: {  	_ = 	snop  }
0x3b: {  	_ = 	snop  }
0x3c: {  	p2 =	seq.s32 s10, $0x1;
	s10 =	sld [smem:$0x3FB4]  }
0x3d: {  	_ =	shalt  }
0x3e: {  	_ =	shalt  }
0x3f: {  	_ =	shalt  }
0x40: {  	_ =	shalt  }
0x41: {  	_ =	shalt  }
0x42: {  	_ =	shalt  }
0x43: {  	_ =	shalt  }
0x44: {  	_ =	shalt  }
0x45: {  	_ =	shalt  }
0x46: {  	_ =	shalt  }
0x47: {  	_ =	shalt  }
0x48: {  	_ =	shalt  }
0x49: {  	_ =	shalt  }
0x4a: {  	_ =	shalt  }
0x4b: {  	_ =	shalt  }
0x4c: {  	_ =	shalt  }
0x4d: {  	_ =	shalt  }
0x4e: {  	_ =	shalt  }
0x4f: {  	_ =	shalt  }
0x50: {  	_ =	shalt  }
0x51: {  	_ =	shalt  }
0x52: {  	_ =	shalt  }
0x53: {  	_ =	shalt  }
0x54: {  	_ =	shalt  }
0x55: {  	_ =	shalt  }
0x56: {  	_ =	shalt  }
0x57: {  	_ =	shalt  }
0x58: {  	_ =	shalt  }
0x59: {  	_ =	shalt  }
0x5a: {  	_ =	shalt  }
0x5b: {  	_ =	shalt  }
0x5c: {  	_ =	shalt  }
0x5d: {  	_ =	shalt  }
0x5e: {  	_ =	shalt  }
0x5f: {  	_ =	shalt  }
0x60: {  	_ =	shalt  }
0x61: {  	_ =	shalt  }
0x62: {  	_ =	shalt  }
0x63: {  	_ =	shalt  }
0x64: {  	_ =	shalt  }
0x65: {  	_ =	shalt  }
0x66: {  	_ =	shalt  }
0x67: {  	_ =	shalt  }
0x68: {  	_ =	shalt  }
0x69: {  	_ =	shalt  }
0x6a: {  	_ =	shalt  }
0x6b: {  	_ =	shalt  }
0x6c: {  	_ =	shalt  }
0x6d: {  	_ =	shalt  }
0x6e: {  	_ =	shalt  }
0x6f: {  	_ =	shalt  }
0x70: {  	_ =	shalt  }
0x71: {  	_ =	shalt  }
0x72: {  	_ =	shalt  }
0x73: {  	_ =	shalt  }
0x74: {  	_ =	shalt  }
0x75: {  	_ =	shalt  }
0x76: {  	_ =	shalt  }
0x77: {  	_ =	shalt  }
0x78: {  	_ =	shalt  }
0x79: {  	_ =	shalt  }
0x7a: {  	_ =	shalt  }
0x7b: {  	_ =	shalt  }
0x7c: {  	_ =	shalt  }
0x7d: {  	_ =	shalt  }
0x7e: {  	_ =	shalt  }
0x7f: {  	_ =	shalt  }
0x80: {  	_ =	shalt  }
0x81: {  	_ =	shalt  }
0x82: {  	_ =	shalt  }
0x83: {  	_ =	shalt  }
0x84: {  	_ =	shalt  }
0x85: {  	_ =	shalt  }
0x86: {  	_ =	shalt  }
0x87: {  	_ =	shalt  }
.Lfunc_end0:
.L_simem_size_0:
called_computation_lowered:
.L_overlay_start_0:
0x88: {  	s2 =	sld [smem:$0x3FD9]  }
0x89: {  	s3 =	sld [smem:$0x3FFE];
	_ =	sdelay $0x1  }
0x8a: {  	s1 =	srdreg.scid  }
0x8b: {  	s0 =	sand.u32 $0x1, s1  }
0x8c: {  	s17 =	sshll.u32 s0, $0xA;
	s2 =	sadd.s32 s3, s2  }
0x8d: {  	s2 =	sadd.s32 s2, s17  }
0x8e: {  	[smem:$0x3FC0] =	sst s2  }
0x8f: {  	_ = 	snop  }
0x90: {  	s2 =	sld [smem:$0x3FD0];
	(tm) =	ssettm $0x1  }
0x91: {  	s18 =	sld [smem:$0x3FFB];
	_ =	sdelay $0x3  }
0x92: {  	_ =	strace s18  }
0x93: {  	s3 =	sld [smem:$0x3FFC];
	_ =	sdelay $0x3  }
0x94: {  	_ =	strace s3  }
0x95: {  	s3 =	sld [smem:$0x3FFD];
	_ =	sdelay $0x3  }
0x96: {  	_ =	strace s3  }
0x97: {  	_ =	strace $0x8FFFFFFF  }
0x98: {  	s19 =	sld [smem:$0x3FDB];
	_ =	sdelay $0x1  }
0x99: {  	s4 =	simm.s32 $_scs_section_size  }
0x9a: {  	s5 =	simm.s32 $_size__tile_overlayer_lowered;
	s6 =	simm.s32 $_tile_overlayer_lowered  }
0x9b: {  	s22 =	simm.s32 $0x1BFF;
	s21 =	sshll.u32 s6, $0x1;
	s3 =	sadd.s32 s4, s19  }
0x9c: {  	s7 =	simm.s32 $0x0;
	s20 =	sshll.u32 s5, $0x1;
	s5 =	sadd.s32 s21, s3  }
0x9d: {  	[timem:s7], [sflag:s22] =	dma.local [hbm:s5], s20  }
0x9e: {  	_ =	swait.ge [sflag:s22], s20  }
0x9f: {  	s4 =	ssub.s32 $0x0, s20;
	[sflag:s22] =	ssyncset.done $0x0  }
0xa0: {  	[sflag:s22] =	ssyncadd.s32 s4;
	_ =	sdelay $0x1  }
0xa1: {  	s23 =	simm.s32 $0x1B8B  }
0xa2: {  	_ =	swait.ge [sflag:s23], $0x1  }
0xa3: {  	[sflag:s23] =	ssyncset.done $0x0  }
0xa4: {  	s25 =	simm.s32 $0x1B8E;
	s24 =	sld [smem:$0x3FFE];
	[sflag:s23] =	ssyncadd.s32 $0xFFFFFFFF  }
0xa5: {  	s26 =	simm.s32 $execute0_lowered;
	[smem:$0x3FD2] =	sst s25  }
0xa6: {  	s5 =	sshll.u32 s26, $0x1;
	_ =	strace $0x80000046;
	[dreg:$0x1] =	wrdreg $0xFFFFFFFF  }
0xa7: {  	s28 =	simm.s32 $_size_execute0_lowered;
	s3 =	sadd.s32 s3, s5;
	[dreg:$0x0] =	wrdreg $0x0  }
0xa8: {  	s5 =	sshll.u32 s28, $0x1;
	[dreg:$0x2] =	wrdreg s3  }
0xa9: {  	[dreg:$0x3] =	wrdreg s5  }
0xaa: {  	[dreg:$0x4] =	wrdreg $0xC0  }
0xab: {  	_ =	task [dreg:s7], $0x5FFFF  }
0xac: {  	[dreg:$0x1] =	wrdreg $0xFFFFFFFF  }
0xad: {  	[dreg:$0x0] =	wrdreg $0x60  }
0xae: {  	[dreg:$0x2] =	wrdreg s2  }
0xaf: {  	[dreg:$0x3] =	wrdreg s24  }
0xb0: {  	[dreg:$0x4] =	wrdreg $0x78000  }
0xb1: {  	[dreg:$0x5] =	wrdreg $0x13BA00  }
0xb2: {  	[dreg:$0x6] =	wrdreg $0x9  }
0xb3: {  	_ =	task.clear_ibuf [dreg:s7], $0x7FFFF;
	_ =	strace $0x90000046  }
0xb4: {  	s29 =	simm.s32 $0x9;
	_ =	strace $0x80000048  }
0xb5: {  	_ =	swait.ge [sflag:s29], $0x1  }
0xb6: {  	[sflag:s29] =	ssyncadd.s32 $0xFFFFFFFF  }
0xb7: {  	_ =	strace $0x90000048  }
0xb8: {  	_ =	sfence  }
0xb9: {  	s30 =	sld [smem:$0x0];
	_ =	sdelay $0x2  }
0xba: {  	s31 =	sshll.u32 s1, $0xD;
	s1 =	sshrl.u32 s1, $0x2  }
0xbb: {  	s3 =	sand.u32 $0x4000, s31;
	s1 =	sadd.s32 s1, s30  }
0xbc: {  	s0 =	sor.u32 s3, s0;
	s1 =	sshll.u32 s1, $0x11  }
0xbd: {  	s0 =	sor.u32 s1, s0  }
0xbe: {  	s0 =	sadd.s32 $0x8F2B, s0  }
0xbf: {  	[sflag:s0] =	ssyncadd.remote.s32 $0x1  }
0xc0: {  	_ =	sfence.sel $0xFFFF  }
0xc1: {  	[dreg:$0x0] =	wrdreg $0xFFFFFFFF;
	(pc) =	sbr.abs _section_cstart, $3  }
0xc2: {  	[dreg:$0x1] =	wrdreg $0xFFFFFFFF  }
0xc3: {  	_ =	task.clear_ibuf [dreg:s7], $0x2FFFF;
	_ =	strace $0x9FFFFFFF  }
0xc4: {  	(tm) =	ssettm $0x7FFFFFFF  }
0xc5: {  	_ =	shalt  }
tec
execute0_lowered:
.L_overlay_start_1:
0x0: {  	(tag) =	ssettag $0x1  }
0x1: {  	s0 =	rddreg [dreg:$0x0]  }
0x2: {  	s1 =	srdreg.scid;
	s6 =	rddreg [dreg:$0x1]  }
0x3: {  	s14 =	stileid.u32;
	s2 =	rddreg [dreg:$0x2];
	s15 =	simm.s32 $0x2800  }
0x4: {  	s16 =	simm.s32 $0x20;
	s17 =	simm.s32 $0x5000;
	s18 =	simm.s32 $0x5A00  }
0x5: {  	s20 =	simm.s32 $0x6400;
	s22 =	simm.s32 $0x6E00;
	s29 =	simm.s32 $0x6  }
0x6: {  	s31 =	simm.s32 $0x3;
	s21 =	simm.s32 $0x4;
	s28 =	simm.s32 $0x8  }
0x7: {  	s1 =	sand.u32 $0x1, s1;
	s3 =	sshll.u32 s14, $0x1;
	s7 =	smul.u32 $0x18740, s14  }
0x8: {  	s11 =	smul.u32 $0x186A0, s14;
	s24 =	sshll.u32 s14, $0x6;
	s4 =	sor.u32 s1, s3  }
0x9: {  	s3 =	rddreg [dreg:$0x3];
	s8 =	smul.u32 $0x187400, s1;
	s1 =	ssub.s32 $0x2, s1  }
0xa: {  	s5 =	smul.u32 $0x500, s4;
	s4 =	simm.s32 $0x0;
	s10 =	sshrl.u32 s1, $0x1  }
0xb: {  	s23 =	sshrl.u32 s7, $0x1;
	s25 =	sshrl.u32 s11, $0x1;
	s30 =	sshrl.u32 s11, $0x4  }
0xc: {  	[smem:$0x7FF] =	sst s4;
	s8 =	sadd.s32 s7, s8;
	s1 =	ssub.s32 s1, s10  }
0xd: {  	s13 =	sadd.s32 s23, s2;
	s26 =	sadd.s32 s25, s3;
	s7 =	sadd.s32 s0, s30  }
0xe: {  	s23 =	simm.s32 $0x1;
	s0 =	simm.s32 $0x7;
	_ =	strace $0x80000047  }
0xf: {  	s9 =	sadd.s32 s5, s6;
	s5 =	sadd.s32 $0x1400, s6;
	s8 =	sshrl.u32 s8, $0x4  }
0x10: {  	s11 =	smax.u32 s1, $0x1;
	s14 =	sshrl.u32 s26, $0x3;
	s26 =	simm.s32 $0x2  }
0x11: {  	s1 =	simm.s32 $0x0;
	s12 =	sadd.s32 s8, s6;
	s6 =	sor.u32 $0x1C09, s24  }
0x12: {  	s8 =	sadd.s32 $0xCE00, s9;
	s9 =	sadd.s32 $0x2E00, s9;
	s24 =	simm.s32 $0x5  }
0x13: {  	s10 =	sadd.s32 $0x16E00, s12;
	s12 =	sshrl.u32 s13, $0x3;
	s13 =	simm.s32 $0x9  }
.LBB2_1:
0x14: {  	[spmem:s12], [sflag:s6] =	dma.local [hbm:s5], $0x1874  }
0x15: {  	_ =	swait.ge [sflag:s13], $0x1874  }
0x16: {  	[sflag:s13] =	ssyncset.done $0x0  }
0x17: {  	[sflag:s13] =	ssyncadd.s32 $0xFFFFE78C  }
0x18: {  	[spmem:s14], [sflag:s6] =	dma.local [hbm:s7], $0x186A  }
0x19: {  	_ =	swait.ge [sflag:s13], $0x186A  }
0x1a: {  	[sflag:s13] =	ssyncset.done $0x0  }
0x1b: {  	[sflag:s13] =	ssyncadd.s32 $0xFFFFE796  }
0x1c: {  	[tilespmem:s4], [sflag:$0x9] =	stream.linear.gather [hbm4b:s8+s4], $0x2800, $0x38;
	[tilespmem:$0x1FEF0] =	vst v63  }
0x1d: {  	_ =	swait.ge [sflag:s13], $0x2800  }
0x1e: {  	[sflag:s13] =	ssyncset.done $0x0  }
0x1f: {  	[sflag:s13] =	ssyncadd.s32 $0xFFFFD800  }
0x20: {  	[tilespmem:s15], [sflag:$0x9] =	stream.linear.gather [hbm4b:s9+s4], $0x2800, $0x38;
	[tilespmem:$0x1FEF0] =	vst v63  }
0x21: {  	_ =	swait.ge [sflag:s13], $0x2800  }
0x22: {  	[sflag:s13] =	ssyncset.done $0x0  }
0x23: {  	[sflag:s13] =	ssyncadd.s32 $0xFFFFD800  }
0x24: {  	[bflag:$0x0] =	sbarrier.arrive $0xFFFF  }
0x25: {  	[tilespmem:s17], [sflag:$0x1] =	stream.indirect.gather [spmem:s3], $0x50, s4, s16, $0xb8;
	[tilespmem:$0x1FEF0] =	vst v63  }
0x26: {  	_ = 	snop  }
0x27: {  	[tilespmem:s18], [sflag:$0x2] =	stream.indirect.gather [spmem:s3], $0x50, s16, s16, $0xb8;
	[tilespmem:$0x1FEF0] =	vst v63  }
0x28: {  	s19 =	simm.s32 $0x40  }
0x29: {  	[tilespmem:s20], [sflag:$0x3] =	stream.indirect.gather [spmem:s3], $0x50, s19, s16, $0xb8;
	[tilespmem:$0x1FEF0] =	vst v63  }
0x2a: {  	s25 =	simm.s32 $0x60  }
0x2b: {  	[tilespmem:s22], [sflag:$0x4] =	stream.indirect.gather [spmem:s3], $0x50, s25, s16, $0xb8;
	[tilespmem:$0x1FEF0] =	vst v63  }
0x2c: {  	_ =	swait.ge [sflag:s23], $0xA00  }
0x2d: {  	[sflag:s23] =	ssyncset.done $0x0  }
0x2e: {  	[sflag:s23] =	ssyncadd.s32 $0xFFFFF600  }
0x2f: {  	[spmem:s2] =	stream.indirect.scatter.add.bf16 [tilespmem:s17], [sflag:$0x5], $0x50, s15, s16, $0xb8;
	[tilespmem:$0x1FEF0] =	vst v63  }
0x30: {  	_ =	swait.ge [sflag:s24], $0xA00  }
0x31: {  	[sflag:s24] =	ssyncset.done $0x0  }
0x32: {  	s30 =	simm.s32 $0x80;
	[sflag:s24] =	ssyncadd.s32 $0xFFFFF600  }
0x33: {  	[tilespmem:s17], [sflag:$0x1] =	stream.indirect.gather [spmem:s3], $0x50, s30, s16, $0xb8;
	[tilespmem:$0x1FEF0] =	vst v63  }
0x34: {  	_ =	swait.ge [sflag:s26], $0xA00  }
0x35: {  	[sflag:s26] =	ssyncset.done $0x0  }
0x36: {  	s25 =	simm.s32 $0x2820;
	[sflag:s26] =	ssyncadd.s32 $0xFFFFF600  }
0x37: {  	[spmem:s2] =	stream.indirect.scatter.add.bf16 [tilespmem:s18], [sflag:$0x6], $0x50, s25, s16, $0xb8;
	[tilespmem:$0x1FEF0] =	vst v63  }
0x38: {  	_ =	swait.ge [sflag:s29], $0xA00  }
0x39: {  	[sflag:s29] =	ssyncset.done $0x0  }
0x3a: {  	s30 =	simm.s32 $0xA0;
	[sflag:s29] =	ssyncadd.s32 $0xFFFFF600  }
0x3b: {  	[tilespmem:s18], [sflag:$0x2] =	stream.indirect.gather [spmem:s3], $0x50, s30, s16, $0xb8;
	[tilespmem:$0x1FEF0] =	vst v63  }
0x3c: {  	_ =	swait.ge [sflag:s31], $0xA00  }
0x3d: {  	[sflag:s31] =	ssyncset.done $0x0  }
0x3e: {  	s25 =	simm.s32 $0x2840;
	[sflag:s31] =	ssyncadd.s32 $0xFFFFF600  }
0x3f: {  	[spmem:s2] =	stream.indirect.scatter.add.bf16 [tilespmem:s20], [sflag:$0x7], $0x50, s25, s16, $0xb8;
	[tilespmem:$0x1FEF0] =	vst v63  }
0x40: {  	_ =	swait.ge [sflag:s0], $0xA00  }
0x41: {  	[sflag:s0] =	ssyncset.done $0x0  }
0x42: {  	s30 =	simm.s32 $0xC0;
	[sflag:s0] =	ssyncadd.s32 $0xFFFFF600  }
0x43: {  	[tilespmem:s20], [sflag:$0x3] =	stream.indirect.gather [spmem:s3], $0x50, s30, s16, $0xb8;
	[tilespmem:$0x1FEF0] =	vst v63  }
0x44: {  	_ =	swait.ge [sflag:s21], $0xA00  }
0x45: {  	[sflag:s21] =	ssyncset.done $0x0  }
0x46: {  	s25 =	simm.s32 $0x2860;
	[sflag:s21] =	ssyncadd.s32 $0xFFFFF600  }
0x47: {  	[spmem:s2] =	stream.indirect.scatter.add.bf16 [tilespmem:s22], [sflag:$0x8], $0x50, s25, s16, $0xb8;
	[tilespmem:$0x1FEF0] =	vst v63  }
0x48: {  	_ =	swait.ge [sflag:s28], $0xA00  }
0x49: {  	[sflag:s28] =	ssyncset.done $0x0  }
0x4a: {  	s30 =	simm.s32 $0xE0;
	[sflag:s28] =	ssyncadd.s32 $0xFFFFF600  }
0x4b: {  	[tilespmem:s22], [sflag:$0x4] =	stream.indirect.gather [spmem:s3], $0x50, s30, s16, $0xb8;
	[tilespmem:$0x1FEF0] =	vst v63  }
0x4c: {  	_ =	swait.ge [sflag:s23], $0xA00  }
0x4d: {  	[sflag:s23] =	ssyncset.done $0x0  }
0x4e: {  	s25 =	simm.s32 $0x2880;
	[sflag:s23] =	ssyncadd.s32 $0xFFFFF600  }
0x4f: {  	[spmem:s2] =	stream.indirect.scatter.add.bf16 [tilespmem:s17], [sflag:$0x5], $0x50, s25, s16, $0xb8;
	[tilespmem:$0x1FEF0] =	vst v63  }
0x50: {  	_ =	swait.ge [sflag:s24], $0xA00  }
0x51: {  	[sflag:s24] =	ssyncset.done $0x0  }
0x52: {  	s30 =	simm.s32 $0x100;
	[sflag:s24] =	ssyncadd.s32 $0xFFFFF600  }
0x53: {  	[tilespmem:s17], [sflag:$0x1] =	stream.indirect.gather [spmem:s3], $0x50, s30, s16, $0xb8;
	[tilespmem:$0x1FEF0] =	vst v63  }
0x54: {  	_ =	swait.ge [sflag:s26], $0xA00  }
0x55: {  	[sflag:s26] =	ssyncset.done $0x0  }
0x56: {  	s25 =	simm.s32 $0x28A0;
	[sflag:s26] =	ssyncadd.s32 $0xFFFFF600  }
0x57: {  	[spmem:s2] =	stream.indirect.scatter.add.bf16 [tilespmem:s18], [sflag:$0x6], $0x50, s25, s16, $0xb8;
	[tilespmem:$0x1FEF0] =	vst v63  }
0x58: {  	_ =	swait.ge [sflag:s29], $0xA00  }
0x59: {  	[sflag:s29] =	ssyncset.done $0x0  }
0x5a: {  	s30 =	simm.s32 $0x120;
	[sflag:s29] =	ssyncadd.s32 $0xFFFFF600  }
0x5b: {  	[tilespmem:s18], [sflag:$0x2] =	stream.indirect.gather [spmem:s3], $0x50, s30, s16, $0xb8;
	[tilespmem:$0x1FEF0] =	vst v63  }
0x5c: {  	_ =	swait.ge [sflag:s31], $0xA00  }
0x5d: {  	[sflag:s31] =	ssyncset.done $0x0  }
0x5e: {  	s25 =	simm.s32 $0x28C0;
	[sflag:s31] =	ssyncadd.s32 $0xFFFFF600  }
0x5f: {  	[spmem:s2] =	stream.indirect.scatter.add.bf16 [tilespmem:s20], [sflag:$0x7], $0x50, s25, s16, $0xb8;
	[tilespmem:$0x1FEF0] =	vst v63  }
0x60: {  	_ =	swait.ge [sflag:s0], $0xA00  }
0x61: {  	[sflag:s0] =	ssyncset.done $0x0  }
0x62: {  	s30 =	simm.s32 $0x140;
	[sflag:s0] =	ssyncadd.s32 $0xFFFFF600  }
0x63: {  	[tilespmem:s20], [sflag:$0x3] =	stream.indirect.gather [spmem:s3], $0x50, s30, s16, $0xb8;
	[tilespmem:$0x1FEF0] =	vst v63  }
0x64: {  	_ =	swait.ge [sflag:s21], $0xA00  }
0x65: {  	[sflag:s21] =	ssyncset.done $0x0  }
0x66: {  	s19 =	simm.s32 $0x200;
	s25 =	simm.s32 $0x28E0;
	[sflag:s21] =	ssyncadd.s32 $0xFFFFF600  }
.LBB2_2:
0x67: {  	[spmem:s2] =	stream.indirect.scatter.add.bf16 [tilespmem:s22], [sflag:$0x8], $0x50, s25, s16, $0xb8;
	[tilespmem:$0x1FEF0] =	vst v63  }
0x68: {  	s25 =	smov.u32 s19  }
0x69: {  	p0 =	sne.s32 s19, $0x9A00;
	s19 =	sadd.s32 $0x200, s19;
	_ =	swait.ge [sflag:s28], $0xA00  }
0x6a: {  	s25 =	sshra.s32 s25, $0x2;
	[sflag:s28] =	ssyncset.done $0x0  }
0x6b: {  	s30 =	sadd.s32 $0xE0, s25;
	[sflag:s28] =	ssyncadd.s32 $0xFFFFF600  }
0x6c: {  	[tilespmem:s22], [sflag:$0x4] =	stream.indirect.gather [spmem:s3], $0x50, s30, s16, $0xb8;
	[tilespmem:$0x1FEF0] =	vst v63  }
0x6d: {  	_ =	swait.ge [sflag:s23], $0xA00  }
0x6e: {  	[sflag:s23] =	ssyncset.done $0x0  }
0x6f: {  	s30 =	sadd.s32 $0x2880, s25;
	[sflag:s23] =	ssyncadd.s32 $0xFFFFF600  }
0x70: {  	[spmem:s2] =	stream.indirect.scatter.add.bf16 [tilespmem:s17], [sflag:$0x5], $0x50, s30, s16, $0xb8;
	[tilespmem:$0x1FEF0] =	vst v63  }
0x71: {  	_ =	swait.ge [sflag:s24], $0xA00  }
0x72: {  	[sflag:s24] =	ssyncset.done $0x0  }
0x73: {  	s30 =	sadd.s32 $0x100, s25;
	[sflag:s24] =	ssyncadd.s32 $0xFFFFF600  }
0x74: {  	[tilespmem:s17], [sflag:$0x1] =	stream.indirect.gather [spmem:s3], $0x50, s30, s16, $0xb8;
	[tilespmem:$0x1FEF0] =	vst v63  }
0x75: {  	_ =	swait.ge [sflag:s26], $0xA00  }
0x76: {  	[sflag:s26] =	ssyncset.done $0x0  }
0x77: {  	s30 =	sadd.s32 $0x28A0, s25;
	[sflag:s26] =	ssyncadd.s32 $0xFFFFF600  }
0x78: {  	[spmem:s2] =	stream.indirect.scatter.add.bf16 [tilespmem:s18], [sflag:$0x6], $0x50, s30, s16, $0xb8;
	[tilespmem:$0x1FEF0] =	vst v63  }
0x79: {  	_ =	swait.ge [sflag:s29], $0xA00  }
0x7a: {  	[sflag:s29] =	ssyncset.done $0x0  }
0x7b: {  	s30 =	sadd.s32 $0x120, s25;
	[sflag:s29] =	ssyncadd.s32 $0xFFFFF600  }
0x7c: {  	[tilespmem:s18], [sflag:$0x2] =	stream.indirect.gather [spmem:s3], $0x50, s30, s16, $0xb8;
	[tilespmem:$0x1FEF0] =	vst v63  }
0x7d: {  	_ =	swait.ge [sflag:s31], $0xA00  }
0x7e: {  	[sflag:s31] =	ssyncset.done $0x0  }
0x7f: {  	s30 =	sadd.s32 $0x28C0, s25;
	[sflag:s31] =	ssyncadd.s32 $0xFFFFF600  }
0x80: {  	[spmem:s2] =	stream.indirect.scatter.add.bf16 [tilespmem:s20], [sflag:$0x7], $0x50, s30, s16, $0xb8;
	[tilespmem:$0x1FEF0] =	vst v63  }
0x81: {  	_ =	swait.ge [sflag:s0], $0xA00  }
0x82: {  	[sflag:s0] =	ssyncset.done $0x0  }
.Ltmp0:
0x83: {  	s30 =	sadd.s32 $0x140, s25;
	[sflag:s0] =	ssyncadd.s32 $0xFFFFF600;
	(pc) =	sbr.rel @p0 .LBB2_2-.Ltmp0, $4  }
0x84: {  	[tilespmem:s20], [sflag:$0x3] =	stream.indirect.gather [spmem:s3], $0x50, s30, s16, $0xb8;
	[tilespmem:$0x1FEF0] =	vst v63  }
0x85: {  	_ =	swait.ge [sflag:s21], $0xA00  }
0x86: {  	[sflag:s21] =	ssyncset.done $0x0  }
0x87: {  	s25 =	sadd.s32 $0x28E0, s25;
	[sflag:s21] =	ssyncadd.s32 $0xFFFFF600  }
0x88: {  	[spmem:s2] =	stream.indirect.scatter.add.bf16 [tilespmem:s22], [sflag:$0x8], $0x50, s25, s16, $0xb8;
	[tilespmem:$0x1FEF0] =	vst v63  }
0x89: {  	_ =	swait.ge [sflag:s28], $0xA00  }
0x8a: {  	[sflag:s28] =	ssyncset.done $0x0  }
0x8b: {  	s19 =	simm.s32 $0x27E0;
	[sflag:s28] =	ssyncadd.s32 $0xFFFFF600  }
0x8c: {  	[tilespmem:s22], [sflag:$0x4] =	stream.indirect.gather [spmem:s3], $0x50, s19, s16, $0xb8;
	[tilespmem:$0x1FEF0] =	vst v63  }
0x8d: {  	_ =	swait.ge [sflag:s23], $0xA00  }
0x8e: {  	[sflag:s23] =	ssyncset.done $0x0  }
0x8f: {  	s25 =	simm.s32 $0x4F80;
	[sflag:s23] =	ssyncadd.s32 $0xFFFFF600  }
0x90: {  	[spmem:s2] =	stream.indirect.scatter.add.bf16 [tilespmem:s17], [sflag:$0x5], $0x50, s25, s16, $0xb8;
	[tilespmem:$0x1FEF0] =	vst v63  }
0x91: {  	_ =	swait.ge [sflag:s26], $0xA00  }
0x92: {  	[sflag:s26] =	ssyncset.done $0x0  }
0x93: {  	s30 =	simm.s32 $0x4FA0;
	[sflag:s26] =	ssyncadd.s32 $0xFFFFF600  }
0x94: {  	[spmem:s2] =	stream.indirect.scatter.add.bf16 [tilespmem:s18], [sflag:$0x6], $0x50, s30, s16, $0xb8;
	[tilespmem:$0x1FEF0] =	vst v63  }
0x95: {  	_ =	swait.ge [sflag:s31], $0xA00  }
0x96: {  	[sflag:s31] =	ssyncset.done $0x0  }
0x97: {  	s25 =	simm.s32 $0x4FC0;
	[sflag:s31] =	ssyncadd.s32 $0xFFFFF600  }
0x98: {  	[spmem:s2] =	stream.indirect.scatter.add.bf16 [tilespmem:s20], [sflag:$0x7], $0x50, s25, s16, $0xb8;
	[tilespmem:$0x1FEF0] =	vst v63  }
0x99: {  	_ =	swait.ge [sflag:s21], $0xA00  }
0x9a: {  	[sflag:s21] =	ssyncset.done $0x0  }
0x9b: {  	s30 =	simm.s32 $0x4FE0;
	[sflag:s21] =	ssyncadd.s32 $0xFFFFF600  }
0x9c: {  	[spmem:s2] =	stream.indirect.scatter.add.bf16 [tilespmem:s22], [sflag:$0x8], $0x50, s30, s16, $0xb8;
	[tilespmem:$0x1FEF0] =	vst v63  }
0x9d: {  	_ =	swait.ge [sflag:s24], $0xA00  }
0x9e: {  	[sflag:s24] =	ssyncset.done $0x0  }
0x9f: {  	[sflag:s24] =	ssyncadd.s32 $0xFFFFF600  }
0xa0: {  	_ =	swait.ge [sflag:s29], $0xA00  }
0xa1: {  	[sflag:s29] =	ssyncset.done $0x0  }
0xa2: {  	[sflag:s29] =	ssyncadd.s32 $0xFFFFF600  }
0xa3: {  	_ =	swait.ge [sflag:s0], $0xA00  }
0xa4: {  	[sflag:s0] =	ssyncset.done $0x0  }
0xa5: {  	[sflag:s0] =	ssyncadd.s32 $0xFFFFF600  }
0xa6: {  	_ =	swait.ge [sflag:s28], $0xA00  }
0xa7: {  	s1 =	sadd.s32 $0x1, s1;
	[sflag:s28] =	ssyncset.done $0x0  }
0xa8: {  	p0 =	sne.s32 s1, s11;
	[sflag:s28] =	ssyncadd.s32 $0xFFFFF600  }
.Ltmp1:
0xa9: {  	[bflag:$0x0] =	sbarrier.arrive $0xFFFF;
	(pc) =	sbr.rel @p0 .LBB2_1-.Ltmp1, $4  }
0xaa: {  	[hbm:s10], [sflag:s6] =	dma.local [spmem:s12], $0x1874  }
0xab: {  	_ =	swait.ge [sflag:s13], $0x1874  }
0xac: {  	[sflag:s13] =	ssyncset.done $0x0  }
0xad: {  	[sflag:s13] =	ssyncadd.s32 $0xFFFFE78C  }
0xae: {  	_ =	sfence.sel $0x180000  }
0xaf: {  	[bflag:$0x0] =	sbarrier.arrive $0xFFFF  }
0xb0: {  	_ =	strace $0x90000047  }
0xb1: {  	s0 =	stileid.u32;
	[bflag:$0x2] =	sbarrier.arrive $0xFFFF  }
0xb2: {  	p0 =	sne.s32 s0, $0x0;
	s0 =	rddreg [dreg:$0x4]  }
0xb3: {  	s0 =	sadd.s32 @!p0 $0x100000, s0  }
0xb4: {  	[sflag:s0] =	ssyncadd.tile.s32 @!p0 $0x1;
	_ =	shalt  }
.Lfunc_end2:
_tile_overlayer_lowered:
.L_overlay_start_2:
0xb5: {  	(tag) =	ssettag $0x2  }
0xb6: {  	s0 =	rddreg [dreg:$0x0];
	s2 =	stileid.u32  }
0xb7: {  	s1 =	rddreg [dreg:$0x1];
	p0 =	sne.s32 s2, $0x0  }
0xb8: {  	s3 =	rddreg [dreg:$0x2];
	[bflag:$0x3] =	sbarrier.arrive $0xFFFF;
	s2 =	simm.s32 @!p0 $0x1C09  }
0xb9: {  	[timem:s3], [sflag:s2] =	dma.local @!p0 [hbm:s0], s1  }
0xba: {  	s0 =	simm.s32 @!p0 $0x9  }
0xbb: {  	_ =	swait.ge @!p0 [sflag:s0], s1  }
0xbc: {  	s1 =	ssub.s32 @!p0 $0x0, s1;
	[sflag:s0] =	ssyncset.done @!p0 $0x0  }
0xbd: {  	[sflag:s0] =	ssyncadd.s32 @!p0 s1  }
0xbe: {  	[bflag:$0x3] =	sbarrier.arrive $0xFFFF  }
0xbf: {  	_ =	shalt  }

</sc_bundles>
